<compile_context>
chip_gen: v7x
topology: tpu7x:2x2x1
jax: 0.10.2.dev20260603
libtpu: 0.0.44.dev20260713+nightly
codegen_flags: <defaults>
</compile_context>

<pallas_src>
import functools

import jax
import jax.numpy as jnp
from jax import lax
from jax.experimental import pallas as pl
from jax.experimental.pallas import tpu as pltpu
from jax.experimental.pallas import tpu_sc as plsc

_NC = 2
_NS = 16
_NW = _NC * _NS


@functools.lru_cache(maxsize=None)
def _gather1_kernel(b_flat: int, v: int, d: int, phase: int):
    b_per_w = b_flat // _NW
    sub = b_per_w // 8
    out_rows = b_flat * d // 128
    orow_per_w = b_per_w * d // 128
    mesh = plsc.VectorSubcoreMesh(core_axis_name="c", subcore_axis_name="s")

    @functools.partial(
        pl.kernel,
        mesh=mesh,
        out_type=jax.ShapeDtypeStruct((out_rows, 128), jnp.float32),
        scratch_types=[
            pltpu.VMEM((b_per_w,), jnp.int32),
            pltpu.VMEM((8, sub), jnp.int32),
            pltpu.VMEM((8, sub, d), jnp.float32),
            pltpu.SemaphoreType.DMA,
            pltpu.SemaphoreType.DMA,
        ],
        compiler_params=pltpu.CompilerParams(
            use_tc_tiling_on_sc=False, needs_layout_passes=False
        ),
    )
    def k(idx_hbm, tab_hbm, out_hbm, raw_v, idx_v, rows_v, gsem, osem):
        wid = lax.axis_index("s") * _NC + lax.axis_index("c")
        base = wid * b_per_w
        obase = wid * orow_per_w
        lane = lax.iota(jnp.int32, 16)

        pltpu.sync_copy(idx_hbm.at[pl.ds(phase * b_flat + base, b_per_w)],
                        raw_v)

        def reorder(g, _):
            offs = g * 128 + lane * 8
            for s in range(8):
                idx_v[s, pl.ds(g * 16, 16)] = plsc.load_gather(
                    raw_v, [offs + s]
                )
            return 0

        lax.fori_loop(0, sub // 16, reorder, 0)

        for s in range(8):
            pltpu.make_async_copy(
                tab_hbm.at[idx_v.at[s]], rows_v.at[s], gsem
            ).start()
        for s in range(8):
            pltpu.make_async_copy(
                tab_hbm.at[idx_v.at[s]], rows_v.at[s], gsem
            ).wait()
        for s in range(8):
            pltpu.make_async_copy(
                rows_v.at[s],
                out_hbm.at[pl.ds(obase, orow_per_w), pl.ds(d * s, d)],
                osem,
            ).start()
        for s in range(8):
            pltpu.make_async_copy(
                rows_v.at[s],
                out_hbm.at[pl.ds(obase, orow_per_w), pl.ds(d * s, d)],
                osem,
            ).wait()

    return k


def kernel(dx_ints, proc_ints, dx_table, proc_table, visit_param, max_num_codes):
    b, l = dx_ints.shape
    v = dx_table.shape[0]
    d = dx_table.shape[1]
    b_flat = b * l
    idx_cat = jnp.concatenate(
        [dx_ints.reshape(b_flat), proc_ints.reshape(b_flat)]
    )
    emb_dx128 = _gather1_kernel(b_flat, v, d, 0)(idx_cat, dx_table)
    emb_proc128 = _gather1_kernel(b_flat, v, d, 1)(idx_cat, proc_table)
    emb_dx = emb_dx128.reshape(b, l, d)
    emb_proc = emb_proc128.reshape(b, l, d)
    mask_dx = jnp.ones((b, l, 1), dtype=jnp.float32)
    mask_proc = jnp.ones((b, l, 1), dtype=jnp.float32)
    visit_emb = jnp.broadcast_to(visit_param[None, :, :], (1, 1, d))
    mask_visit = jnp.ones((1, 1), dtype=jnp.float32)
    return (emb_dx, emb_proc, visit_emb, mask_dx, mask_proc, mask_visit)

# --- scband reference (transcript-rebuilt; emitter-appended) ---
"""Pipeline reference for scband-feature-embedder-2542620639721 (READ-ONLY COPY).

The authoritative reference and input builder live on the scoring server;
editing this copy changes nothing except your own understanding.
"""

import jax, jax.numpy as jnp
import numpy as np

VOCAB = 100000
D = 16
B = 4096
L = 50


def setup_inputs(seed: int = 0) -> dict:
    key = jax.random.key(seed)
    k1, k2, k3, k4 = jax.random.split(key, 4)
    dx_ints = jax.random.randint(k1, (B, L), 0, VOCAB, dtype=jnp.int32)
    proc_ints = jax.random.randint(k2, (B, L), 0, VOCAB, dtype=jnp.int32)
    # Embedding tables sized vocab_size + 1 with padding row (index VOCAB) zeroed,
    # matching nn.Embedding(num_embeddings=vocab+1, padding_idx=vocab).
    dx_table = jax.random.normal(k3, (VOCAB + 1, D), dtype=jnp.float32)
    dx_table = dx_table.at[VOCAB].set(0.0)
    proc_table = jax.random.normal(k4, (VOCAB + 1, D), dtype=jnp.float32)
    proc_table = proc_table.at[VOCAB].set(0.0)
    # embeddings['visit'] is an nn.Parameter initialized to zeros(1, D)
    visit_param = jnp.zeros((1, D), dtype=jnp.float32)
    return {
        "dx_ints": dx_ints,
        "proc_ints": proc_ints,
        "dx_table": dx_table,
        "proc_table": proc_table,
        "visit_param": visit_param,
        "max_num_codes": L,
    }


def reference(dx_ints, proc_ints, dx_table, proc_table, visit_param, max_num_codes):
    # embeddings[key] = self.embeddings[key](tensor.long())  -> table gather
    emb_dx = jnp.take(dx_table, dx_ints, axis=0)          # [B, L, D]
    emb_proc = jnp.take(proc_table, proc_ints, axis=0)    # [B, L, D]
    # masks[key] = ones_like(tensor).unsqueeze(-1)
    mask_dx = jnp.ones(dx_ints.shape + (1,), dtype=jnp.float32)
    mask_proc = jnp.ones(proc_ints.shape + (1,), dtype=jnp.float32)
    # embeddings['visit'] = visit_param.expand(batch_size=1, -1, -1)
    visit_emb = jnp.broadcast_to(visit_param[None, :, :], (1, 1, visit_param.shape[-1]))
    mask_visit = jnp.ones((1, 1), dtype=jnp.float32)
    # Original returns (embeddings dict, masks dict); flatten to a tuple of arrays.
    return (emb_dx, emb_proc, visit_emb, mask_dx, mask_proc, mask_visit)

if __name__ == "__main__":
    import jax
    _d = setup_inputs()
    print(jax.jit(kernel)(*tuple(_d.values())))

</pallas_src>

<mosaic_0001>
#map = affine_map<(d0, d1) -> (0)>
#map1 = affine_map<(d0, d1) -> (0, 0)>
module attributes {stable_mosaic.version = 14 : i64} {
  func.func @k(%arg0: i32, %arg1: i32, %arg2: memref<409600xi32, #tpu.memory_space<hbm>>, %arg3: memref<100001x16xf32, #tpu.memory_space<hbm>>, %arg4: memref<25600x128xf32, #tpu.memory_space<hbm>>, %arg5: memref<6400xi32, #tpu.memory_space<vmem>>, %arg6: memref<8x800xi32, #tpu.memory_space<vmem>>, %arg7: memref<8x800x16xf32, #tpu.memory_space<vmem>>, %arg8: memref<!tpu.dma_semaphore, #tpu.memory_space<semaphore_mem>>, %arg9: memref<!tpu.dma_semaphore, #tpu.memory_space<semaphore_mem>>) attributes {dimension_semantics = [#tpu.dimension_semantics<core_parallel>, #tpu.dimension_semantics<subcore_parallel>], iteration_bounds = array<i64: 2, 16>, scalar_prefetch = 0 : i64, scratch_operands = 5 : i64, tpu.core_type = #tpu.core_type<sc_vector_subcore>, window_params = [{transform_indices = #map}, {transform_indices = #map1}, {transform_indices = #map1}]} {
    %mul3A = arith.constant 2 : i32
    %mul3A_0 = arith.muli %arg1, %mul3A : i32
    %add3A = arith.addi %mul3A_0, %arg0 : i32
    %mul3A_1 = arith.constant 6400 : i32
    %mul3A_2 = arith.muli %add3A, %mul3A_1 : i32
    %mul3A_3 = arith.constant 800 : i32
    %mul3A_4 = arith.muli %add3A, %mul3A_3 : i32
    %iota3A = tpu.iota {dimensions = array<i32: 0>} : vector<16xi32>
    %add3A_5 = arith.constant 204800 : i32
    %add3A_6 = arith.addi %add3A_5, %mul3A_2 : i32
    "tpu.region"() ({
      %run_scoped3A = tpu.sem_alloc : memref<!tpu.dma_semaphore, #tpu.memory_space<semaphore_mem>>
      %dma_start3A_411 = tpu.memref_slice %arg2[%add3A_6] : memref<409600xi32, #tpu.memory_space<hbm>> -> memref<6400xi32, #tpu.memory_space<hbm>>
      %dma_start3A_412 = tpu.memref_slice %arg2[%add3A_6] : memref<409600xi32, #tpu.memory_space<hbm>> -> memref<6400xi32, #tpu.memory_space<hbm>>
      tpu.enqueue_dma source(%dma_start3A_412 : memref<6400xi32, #tpu.memory_space<hbm>>) target(%arg5 : memref<6400xi32, #tpu.memory_space<vmem>>) target_semaphore(%run_scoped3A : memref<!tpu.dma_semaphore, #tpu.memory_space<semaphore_mem>>)
      %dma_wait3A_413 = tpu.memref_slice %arg2[%add3A_6] : memref<409600xi32, #tpu.memory_space<hbm>> -> memref<6400xi32, #tpu.memory_space<hbm>>
      %dma_wait3A_414 = tpu.memref_slice %arg2[%add3A_6] : memref<409600xi32, #tpu.memory_space<hbm>> -> memref<6400xi32, #tpu.memory_space<hbm>>
      tpu.wait_dma2 semaphore(%run_scoped3A : memref<!tpu.dma_semaphore, #tpu.memory_space<semaphore_mem>>) src(%dma_wait3A_414 : memref<6400xi32, #tpu.memory_space<hbm>>) dst(%arg5 : memref<6400xi32, #tpu.memory_space<vmem>>)
      tpu.yield
    }) : () -> ()
    %scan3A = arith.constant 0 : i32
    %scan3A_7 = arith.constant 0 : i32
    %scan3A_8 = arith.constant 50 : i32
    %scan3A_9 = arith.addi %scan3A_7, %scan3A_8 : i32
    %scan3A_10 = arith.constant 1 : i32
    %scan3A_11 = scf.for %scan3A_411 = %scan3A_7 to %scan3A_9 step %scan3A_10 iter_args(%scan3A_412 = %scan3A) -> (i32)  : i32 {
      %mul3A_413 = arith.constant 128 : i32
      %mul3A_414 = arith.muli %scan3A_411, %mul3A_413 : i32
      %mul3A_415 = arith.constant 8 : i32
      %mul3A_416 = vector.broadcast %mul3A_415 : i32 to vector<16xi32>
      %mul3A_417 = arith.muli %iota3A, %mul3A_416 : vector<16xi32>
      %add3A_418 = vector.broadcast %mul3A_414 : i32 to vector<16xi32>
      %add3A_419 = arith.addi %add3A_418, %mul3A_417 : vector<16xi32>
      %add3A_420 = arith.constant 0 : i32
      %add3A_421 = vector.broadcast %add3A_420 : i32 to vector<16xi32>
      %add3A_422 = arith.addi %add3A_419, %add3A_421 : vector<16xi32>
      %gather3A = tpu.vector_load_idx %arg5[%add3A_422] : memref<6400xi32, #tpu.memory_space<vmem>>[vector<16xi32>], vector<16xi32>,
      %mul3A_423 = arith.constant 16 : i32
      %mul3A_424 = arith.muli %scan3A_411, %mul3A_423 : i32
      %swap3A = arith.constant 0 : i32
      %swap3A_425 = arith.index_cast %swap3A : i32 to index
      %swap3A_426 = arith.index_cast %mul3A_424 : i32 to index
      %swap3A_427 = tpu.vector_load %arg6[%swap3A_425, %swap3A_426] {strides = array<i32>} : memref<8x800xi32, #tpu.memory_space<vmem>>, vector<16xi32>,
      tpu.vector_store %arg6[%swap3A_425, %swap3A_426], %gather3A {strides = array<i32>} : memref<8x800xi32, #tpu.memory_space<vmem>>, vector<16xi32>,
      %add3A_428 = arith.constant 1 : i32
      %add3A_429 = vector.broadcast %add3A_428 : i32 to vector<16xi32>
      %add3A_430 = arith.addi %add3A_419, %add3A_429 : vector<16xi32>
      %gather3A_431 = tpu.vector_load_idx %arg5[%add3A_430] : memref<6400xi32, #tpu.memory_space<vmem>>[vector<16xi32>], vector<16xi32>,
      %mul3A_432 = arith.constant 16 : i32
      %mul3A_433 = arith.muli %scan3A_411, %mul3A_432 : i32
      %swap3A_434 = arith.constant 1 : i32
      %swap3A_435 = arith.index_cast %swap3A_434 : i32 to index
      %swap3A_436 = arith.index_cast %mul3A_433 : i32 to index
      %swap3A_437 = tpu.vector_load %arg6[%swap3A_435, %swap3A_436] {strides = array<i32>} : memref<8x800xi32, #tpu.memory_space<vmem>>, vector<16xi32>,
      tpu.vector_store %arg6[%swap3A_435, %swap3A_436], %gather3A_431 {strides = array<i32>} : memref<8x800xi32, #tpu.memory_space<vmem>>, vector<16xi32>,
      %add3A_438 = arith.constant 2 : i32
      %add3A_439 = vector.broadcast %add3A_438 : i32 to vector<16xi32>
      %add3A_440 = arith.addi %add3A_419, %add3A_439 : vector<16xi32>
      %gather3A_441 = tpu.vector_load_idx %arg5[%add3A_440] : memref<6400xi32, #tpu.memory_space<vmem>>[vector<16xi32>], vector<16xi32>,
      %mul3A_442 = arith.constant 16 : i32
      %mul3A_443 = arith.muli %scan3A_411, %mul3A_442 : i32
      %swap3A_444 = arith.constant 2 : i32
      %swap3A_445 = arith.index_cast %swap3A_444 : i32 to index
      %swap3A_446 = arith.index_cast %mul3A_443 : i32 to index
      %swap3A_447 = tpu.vector_load %arg6[%swap3A_445, %swap3A_446] {strides = array<i32>} : memref<8x800xi32, #tpu.memory_space<vmem>>, vector<16xi32>,
      tpu.vector_store %arg6[%swap3A_445, %swap3A_446], %gather3A_441 {strides = array<i32>} : memref<8x800xi32, #tpu.memory_space<vmem>>, vector<16xi32>,
      %add3A_448 = arith.constant 3 : i32
      %add3A_449 = vector.broadcast %add3A_448 : i32 to vector<16xi32>
      %add3A_450 = arith.addi %add3A_419, %add3A_449 : vector<16xi32>
      %gather3A_451 = tpu.vector_load_idx %arg5[%add3A_450] : memref<6400xi32, #tpu.memory_space<vmem>>[vector<16xi32>], vector<16xi32>,
      %mul3A_452 = arith.constant 16 : i32
      %mul3A_453 = arith.muli %scan3A_411, %mul3A_452 : i32
      %swap3A_454 = arith.constant 3 : i32
      %swap3A_455 = arith.index_cast %swap3A_454 : i32 to index
      %swap3A_456 = arith.index_cast %mul3A_453 : i32 to index
      %swap3A_457 = tpu.vector_load %arg6[%swap3A_455, %swap3A_456] {strides = array<i32>} : memref<8x800xi32, #tpu.memory_space<vmem>>, vector<16xi32>,
      tpu.vector_store %arg6[%swap3A_455, %swap3A_456], %gather3A_451 {strides = array<i32>} : memref<8x800xi32, #tpu.memory_space<vmem>>, vector<16xi32>,
      %add3A_458 = arith.constant 4 : i32
      %add3A_459 = vector.broadcast %add3A_458 : i32 to vector<16xi32>
      %add3A_460 = arith.addi %add3A_419, %add3A_459 : vector<16xi32>
      %gather3A_461 = tpu.vector_load_idx %arg5[%add3A_460] : memref<6400xi32, #tpu.memory_space<vmem>>[vector<16xi32>], vector<16xi32>,
      %mul3A_462 = arith.constant 16 : i32
      %mul3A_463 = arith.muli %scan3A_411, %mul3A_462 : i32
      %swap3A_464 = arith.constant 4 : i32
      %swap3A_465 = arith.index_cast %swap3A_464 : i32 to index
      %swap3A_466 = arith.index_cast %mul3A_463 : i32 to index
      %swap3A_467 = tpu.vector_load %arg6[%swap3A_465, %swap3A_466] {strides = array<i32>} : memref<8x800xi32, #tpu.memory_space<vmem>>, vector<16xi32>,
      tpu.vector_store %arg6[%swap3A_465, %swap3A_466], %gather3A_461 {strides = array<i32>} : memref<8x800xi32, #tpu.memory_space<vmem>>, vector<16xi32>,
      %add3A_468 = arith.constant 5 : i32
      %add3A_469 = vector.broadcast %add3A_468 : i32 to vector<16xi32>
      %add3A_470 = arith.addi %add3A_419, %add3A_469 : vector<16xi32>
      %gather3A_471 = tpu.vector_load_idx %arg5[%add3A_470] : memref<6400xi32, #tpu.memory_space<vmem>>[vector<16xi32>], vector<16xi32>,
      %mul3A_472 = arith.constant 16 : i32
      %mul3A_473 = arith.muli %scan3A_411, %mul3A_472 : i32
      %swap3A_474 = arith.constant 5 : i32
      %swap3A_475 = arith.index_cast %swap3A_474 : i32 to index
      %swap3A_476 = arith.index_cast %mul3A_473 : i32 to index
      %swap3A_477 = tpu.vector_load %arg6[%swap3A_475, %swap3A_476] {strides = array<i32>} : memref<8x800xi32, #tpu.memory_space<vmem>>, vector<16xi32>,
      tpu.vector_store %arg6[%swap3A_475, %swap3A_476], %gather3A_471 {strides = array<i32>} : memref<8x800xi32, #tpu.memory_space<vmem>>, vector<16xi32>,
      %add3A_478 = arith.constant 6 : i32
      %add3A_479 = vector.broadcast %add3A_478 : i32 to vector<16xi32>
      %add3A_480 = arith.addi %add3A_419, %add3A_479 : vector<16xi32>
      %gather3A_481 = tpu.vector_load_idx %arg5[%add3A_480] : memref<6400xi32, #tpu.memory_space<vmem>>[vector<16xi32>], vector<16xi32>,
      %mul3A_482 = arith.constant 16 : i32
      %mul3A_483 = arith.muli %scan3A_411, %mul3A_482 : i32
      %swap3A_484 = arith.constant 6 : i32
      %swap3A_485 = arith.index_cast %swap3A_484 : i32 to index
      %swap3A_486 = arith.index_cast %mul3A_483 : i32 to index
      %swap3A_487 = tpu.vector_load %arg6[%swap3A_485, %swap3A_486] {strides = array<i32>} : memref<8x800xi32, #tpu.memory_space<vmem>>, vector<16xi32>,
      tpu.vector_store %arg6[%swap3A_485, %swap3A_486], %gather3A_481 {strides = array<i32>} : memref<8x800xi32, #tpu.memory_space<vmem>>, vector<16xi32>,
      %add3A_488 = arith.constant 7 : i32
      %add3A_489 = vector.broadcast %add3A_488 : i32 to vector<16xi32>
      %add3A_490 = arith.addi %add3A_419, %add3A_489 : vector<16xi32>
      %gather3A_491 = tpu.vector_load_idx %arg5[%add3A_490] : memref<6400xi32, #tpu.memory_space<vmem>>[vector<16xi32>], vector<16xi32>,
      %mul3A_492 = arith.constant 16 : i32
      %mul3A_493 = arith.muli %scan3A_411, %mul3A_492 : i32
      %swap3A_494 = arith.constant 7 : i32
      %swap3A_495 = arith.index_cast %swap3A_494 : i32 to index
      %swap3A_496 = arith.index_cast %mul3A_493 : i32 to index
      %swap3A_497 = tpu.vector_load %arg6[%swap3A_495, %swap3A_496] {strides = array<i32>} : memref<8x800xi32, #tpu.memory_space<vmem>>, vector<16xi32>,
      tpu.vector_store %arg6[%swap3A_495, %swap3A_496], %gather3A_491 {strides = array<i32>} : memref<8x800xi32, #tpu.memory_space<vmem>>, vector<16xi32>,
      %scan3A_498 = arith.constant 0 : i32
      scf.yield %scan3A_498 : i32
    }
    %scan3A_12 = arith.constant 50 : i32
    %dma_start3A = arith.constant 0 : i32
    %dma_start3A_13 = arith.constant 0 : i32
    %dma_start3A_14 = arith.constant 0 : i32
    %dma_start3A_15 = arith.constant 0 : i32
    %dma_start3A_16 = tpu.memref_slice %arg7[%dma_start3A_13, %dma_start3A_14, %dma_start3A_15] : memref<8x800x16xf32, #tpu.memory_space<vmem>> -> memref<1x800x16xf32, #tpu.memory_space<vmem>>
    %dma_start3A_17 = tpu.memref_squeeze %dma_start3A_16 : memref<1x800x16xf32, #tpu.memory_space<vmem>> -> memref<800x16xf32, #tpu.memory_space<vmem>>
    %dma_start3A_18 = arith.constant 0 : i32
    %dma_start3A_19 = tpu.memref_slice %arg6[%dma_start3A, %dma_start3A_18] : memref<8x800xi32, #tpu.memory_space<vmem>> -> memref<1x800xi32, #tpu.memory_space<vmem>>
    %dma_start3A_20 = tpu.memref_squeeze %dma_start3A_19 : memref<1x800xi32, #tpu.memory_space<vmem>> -> memref<800xi32, #tpu.memory_space<vmem>>
    %dma_start3A_21 = arith.constant 0 : i32
    %dma_start3A_22 = arith.constant 0 : i32
    %dma_start3A_23 = tpu.memref_slice %arg3[%dma_start3A_21, %dma_start3A_22] : memref<100001x16xf32, #tpu.memory_space<hbm>> -> memref<100001x16xf32, #tpu.memory_space<hbm>>
    tpu.enqueue_indirect_dma source(%dma_start3A_23 : memref<100001x16xf32, #tpu.memory_space<hbm>>) target(%dma_start3A_17 : memref<800x16xf32, #tpu.memory_space<vmem>>) offsets(%dma_start3A_20 : memref<800xi32, #tpu.memory_space<vmem>>) semaphore(%arg8 : memref<!tpu.dma_semaphore, #tpu.memory_space<semaphore_mem>>)
    %dma_start3A_24 = arith.constant 1 : i32
    %dma_start3A_25 = arith.constant 1 : i32
    %dma_start3A_26 = arith.constant 0 : i32
    %dma_start3A_27 = arith.constant 0 : i32
    %dma_start3A_28 = tpu.memref_slice %arg7[%dma_start3A_25, %dma_start3A_26, %dma_start3A_27] : memref<8x800x16xf32, #tpu.memory_space<vmem>> -> memref<1x800x16xf32, #tpu.memory_space<vmem>>
    %dma_start3A_29 = tpu.memref_squeeze %dma_start3A_28 : memref<1x800x16xf32, #tpu.memory_space<vmem>> -> memref<800x16xf32, #tpu.memory_space<vmem>>
    %dma_start3A_30 = arith.constant 0 : i32
    %dma_start3A_31 = tpu.memref_slice %arg6[%dma_start3A_24, %dma_start3A_30] : memref<8x800xi32, #tpu.memory_space<vmem>> -> memref<1x800xi32, #tpu.memory_space<vmem>>
    %dma_start3A_32 = tpu.memref_squeeze %dma_start3A_31 : memref<1x800xi32, #tpu.memory_space<vmem>> -> memref<800xi32, #tpu.memory_space<vmem>>
    %dma_start3A_33 = arith.constant 0 : i32
    %dma_start3A_34 = arith.constant 0 : i32
    %dma_start3A_35 = tpu.memref_slice %arg3[%dma_start3A_33, %dma_start3A_34] : memref<100001x16xf32, #tpu.memory_space<hbm>> -> memref<100001x16xf32, #tpu.memory_space<hbm>>
    tpu.enqueue_indirect_dma source(%dma_start3A_35 : memref<100001x16xf32, #tpu.memory_space<hbm>>) target(%dma_start3A_29 : memref<800x16xf32, #tpu.memory_space<vmem>>) offsets(%dma_start3A_32 : memref<800xi32, #tpu.memory_space<vmem>>) semaphore(%arg8 : memref<!tpu.dma_semaphore, #tpu.memory_space<semaphore_mem>>)
    %dma_start3A_36 = arith.constant 2 : i32
    %dma_start3A_37 = arith.constant 2 : i32
    %dma_start3A_38 = arith.constant 0 : i32
    %dma_start3A_39 = arith.constant 0 : i32
    %dma_start3A_40 = tpu.memref_slice %arg7[%dma_start3A_37, %dma_start3A_38, %dma_start3A_39] : memref<8x800x16xf32, #tpu.memory_space<vmem>> -> memref<1x800x16xf32, #tpu.memory_space<vmem>>
    %dma_start3A_41 = tpu.memref_squeeze %dma_start3A_40 : memref<1x800x16xf32, #tpu.memory_space<vmem>> -> memref<800x16xf32, #tpu.memory_space<vmem>>
    %dma_start3A_42 = arith.constant 0 : i32
    %dma_start3A_43 = tpu.memref_slice %arg6[%dma_start3A_36, %dma_start3A_42] : memref<8x800xi32, #tpu.memory_space<vmem>> -> memref<1x800xi32, #tpu.memory_space<vmem>>
    %dma_start3A_44 = tpu.memref_squeeze %dma_start3A_43 : memref<1x800xi32, #tpu.memory_space<vmem>> -> memref<800xi32, #tpu.memory_space<vmem>>
    %dma_start3A_45 = arith.constant 0 : i32
    %dma_start3A_46 = arith.constant 0 : i32
    %dma_start3A_47 = tpu.memref_slice %arg3[%dma_start3A_45, %dma_start3A_46] : memref<100001x16xf32, #tpu.memory_space<hbm>> -> memref<100001x16xf32, #tpu.memory_space<hbm>>
    tpu.enqueue_indirect_dma source(%dma_start3A_47 : memref<100001x16xf32, #tpu.memory_space<hbm>>) target(%dma_start3A_41 : memref<800x16xf32, #tpu.memory_space<vmem>>) offsets(%dma_start3A_44 : memref<800xi32, #tpu.memory_space<vmem>>) semaphore(%arg8 : memref<!tpu.dma_semaphore, #tpu.memory_space<semaphore_mem>>)
    %dma_start3A_48 = arith.constant 3 : i32
    %dma_start3A_49 = arith.constant 3 : i32
    %dma_start3A_50 = arith.constant 0 : i32
    %dma_start3A_51 = arith.constant 0 : i32
    %dma_start3A_52 = tpu.memref_slice %arg7[%dma_start3A_49, %dma_start3A_50, %dma_start3A_51] : memref<8x800x16xf32, #tpu.memory_space<vmem>> -> memref<1x800x16xf32, #tpu.memory_space<vmem>>
    %dma_start3A_53 = tpu.memref_squeeze %dma_start3A_52 : memref<1x800x16xf32, #tpu.memory_space<vmem>> -> memref<800x16xf32, #tpu.memory_space<vmem>>
    %dma_start3A_54 = arith.constant 0 : i32
    %dma_start3A_55 = tpu.memref_slice %arg6[%dma_start3A_48, %dma_start3A_54] : memref<8x800xi32, #tpu.memory_space<vmem>> -> memref<1x800xi32, #tpu.memory_space<vmem>>
    %dma_start3A_56 = tpu.memref_squeeze %dma_start3A_55 : memref<1x800xi32, #tpu.memory_space<vmem>> -> memref<800xi32, #tpu.memory_space<vmem>>
    %dma_start3A_57 = arith.constant 0 : i32
    %dma_start3A_58 = arith.constant 0 : i32
    %dma_start3A_59 = tpu.memref_slice %arg3[%dma_start3A_57, %dma_start3A_58] : memref<100001x16xf32, #tpu.memory_space<hbm>> -> memref<100001x16xf32, #tpu.memory_space<hbm>>
    tpu.enqueue_indirect_dma source(%dma_start3A_59 : memref<100001x16xf32, #tpu.memory_space<hbm>>) target(%dma_start3A_53 : memref<800x16xf32, #tpu.memory_space<vmem>>) offsets(%dma_start3A_56 : memref<800xi32, #tpu.memory_space<vmem>>) semaphore(%arg8 : memref<!tpu.dma_semaphore, #tpu.memory_space<semaphore_mem>>)
    %dma_start3A_60 = arith.constant 4 : i32
    %dma_start3A_61 = arith.constant 4 : i32
    %dma_start3A_62 = arith.constant 0 : i32
    %dma_start3A_63 = arith.constant 0 : i32
    %dma_start3A_64 = tpu.memref_slice %arg7[%dma_start3A_61, %dma_start3A_62, %dma_start3A_63] : memref<8x800x16xf32, #tpu.memory_space<vmem>> -> memref<1x800x16xf32, #tpu.memory_space<vmem>>
    %dma_start3A_65 = tpu.memref_squeeze %dma_start3A_64 : memref<1x800x16xf32, #tpu.memory_space<vmem>> -> memref<800x16xf32, #tpu.memory_space<vmem>>
    %dma_start3A_66 = arith.constant 0 : i32
    %dma_start3A_67 = tpu.memref_slice %arg6[%dma_start3A_60, %dma_start3A_66] : memref<8x800xi32, #tpu.memory_space<vmem>> -> memref<1x800xi32, #tpu.memory_space<vmem>>
    %dma_start3A_68 = tpu.memref_squeeze %dma_start3A_67 : memref<1x800xi32, #tpu.memory_space<vmem>> -> memref<800xi32, #tpu.memory_space<vmem>>
    %dma_start3A_69 = arith.constant 0 : i32
    %dma_start3A_70 = arith.constant 0 : i32
    %dma_start3A_71 = tpu.memref_slice %arg3[%dma_start3A_69, %dma_start3A_70] : memref<100001x16xf32, #tpu.memory_space<hbm>> -> memref<100001x16xf32, #tpu.memory_space<hbm>>
    tpu.enqueue_indirect_dma source(%dma_start3A_71 : memref<100001x16xf32, #tpu.memory_space<hbm>>) target(%dma_start3A_65 : memref<800x16xf32, #tpu.memory_space<vmem>>) offsets(%dma_start3A_68 : memref<800xi32, #tpu.memory_space<vmem>>) semaphore(%arg8 : memref<!tpu.dma_semaphore, #tpu.memory_space<semaphore_mem>>)
    %dma_start3A_72 = arith.constant 5 : i32
    %dma_start3A_73 = arith.constant 5 : i32
    %dma_start3A_74 = arith.constant 0 : i32
    %dma_start3A_75 = arith.constant 0 : i32
    %dma_start3A_76 = tpu.memref_slice %arg7[%dma_start3A_73, %dma_start3A_74, %dma_start3A_75] : memref<8x800x16xf32, #tpu.memory_space<vmem>> -> memref<1x800x16xf32, #tpu.memory_space<vmem>>
    %dma_start3A_77 = tpu.memref_squeeze %dma_start3A_76 : memref<1x800x16xf32, #tpu.memory_space<vmem>> -> memref<800x16xf32, #tpu.memory_space<vmem>>
    %dma_start3A_78 = arith.constant 0 : i32
    %dma_start3A_79 = tpu.memref_slice %arg6[%dma_start3A_72, %dma_start3A_78] : memref<8x800xi32, #tpu.memory_space<vmem>> -> memref<1x800xi32, #tpu.memory_space<vmem>>
    %dma_start3A_80 = tpu.memref_squeeze %dma_start3A_79 : memref<1x800xi32, #tpu.memory_space<vmem>> -> memref<800xi32, #tpu.memory_space<vmem>>
    %dma_start3A_81 = arith.constant 0 : i32
    %dma_start3A_82 = arith.constant 0 : i32
    %dma_start3A_83 = tpu.memref_slice %arg3[%dma_start3A_81, %dma_start3A_82] : memref<100001x16xf32, #tpu.memory_space<hbm>> -> memref<100001x16xf32, #tpu.memory_space<hbm>>
    tpu.enqueue_indirect_dma source(%dma_start3A_83 : memref<100001x16xf32, #tpu.memory_space<hbm>>) target(%dma_start3A_77 : memref<800x16xf32, #tpu.memory_space<vmem>>) offsets(%dma_start3A_80 : memref<800xi32, #tpu.memory_space<vmem>>) semaphore(%arg8 : memref<!tpu.dma_semaphore, #tpu.memory_space<semaphore_mem>>)
    %dma_start3A_84 = arith.constant 6 : i32
    %dma_start3A_85 = arith.constant 6 : i32
    %dma_start3A_86 = arith.constant 0 : i32
    %dma_start3A_87 = arith.constant 0 : i32
    %dma_start3A_88 = tpu.memref_slice %arg7[%dma_start3A_85, %dma_start3A_86, %dma_start3A_87] : memref<8x800x16xf32, #tpu.memory_space<vmem>> -> memref<1x800x16xf32, #tpu.memory_space<vmem>>
    %dma_start3A_89 = tpu.memref_squeeze %dma_start3A_88 : memref<1x800x16xf32, #tpu.memory_space<vmem>> -> memref<800x16xf32, #tpu.memory_space<vmem>>
    %dma_start3A_90 = arith.constant 0 : i32
    %dma_start3A_91 = tpu.memref_slice %arg6[%dma_start3A_84, %dma_start3A_90] : memref<8x800xi32, #tpu.memory_space<vmem>> -> memref<1x800xi32, #tpu.memory_space<vmem>>
    %dma_start3A_92 = tpu.memref_squeeze %dma_start3A_91 : memref<1x800xi32, #tpu.memory_space<vmem>> -> memref<800xi32, #tpu.memory_space<vmem>>
    %dma_start3A_93 = arith.constant 0 : i32
    %dma_start3A_94 = arith.constant 0 : i32
    %dma_start3A_95 = tpu.memref_slice %arg3[%dma_start3A_93, %dma_start3A_94] : memref<100001x16xf32, #tpu.memory_space<hbm>> -> memref<100001x16xf32, #tpu.memory_space<hbm>>
    tpu.enqueue_indirect_dma source(%dma_start3A_95 : memref<100001x16xf32, #tpu.memory_space<hbm>>) target(%dma_start3A_89 : memref<800x16xf32, #tpu.memory_space<vmem>>) offsets(%dma_start3A_92 : memref<800xi32, #tpu.memory_space<vmem>>) semaphore(%arg8 : memref<!tpu.dma_semaphore, #tpu.memory_space<semaphore_mem>>)
    %dma_start3A_96 = arith.constant 7 : i32
    %dma_start3A_97 = arith.constant 7 : i32
    %dma_start3A_98 = arith.constant 0 : i32
    %dma_start3A_99 = arith.constant 0 : i32
    %dma_start3A_100 = tpu.memref_slice %arg7[%dma_start3A_97, %dma_start3A_98, %dma_start3A_99] : memref<8x800x16xf32, #tpu.memory_space<vmem>> -> memref<1x800x16xf32, #tpu.memory_space<vmem>>
    %dma_start3A_101 = tpu.memref_squeeze %dma_start3A_100 : memref<1x800x16xf32, #tpu.memory_space<vmem>> -> memref<800x16xf32, #tpu.memory_space<vmem>>
    %dma_start3A_102 = arith.constant 0 : i32
    %dma_start3A_103 = tpu.memref_slice %arg6[%dma_start3A_96, %dma_start3A_102] : memref<8x800xi32, #tpu.memory_space<vmem>> -> memref<1x800xi32, #tpu.memory_space<vmem>>
    %dma_start3A_104 = tpu.memref_squeeze %dma_start3A_103 : memref<1x800xi32, #tpu.memory_space<vmem>> -> memref<800xi32, #tpu.memory_space<vmem>>
    %dma_start3A_105 = arith.constant 0 : i32
    %dma_start3A_106 = arith.constant 0 : i32
    %dma_start3A_107 = tpu.memref_slice %arg3[%dma_start3A_105, %dma_start3A_106] : memref<100001x16xf32, #tpu.memory_space<hbm>> -> memref<100001x16xf32, #tpu.memory_space<hbm>>
    tpu.enqueue_indirect_dma source(%dma_start3A_107 : memref<100001x16xf32, #tpu.memory_space<hbm>>) target(%dma_start3A_101 : memref<800x16xf32, #tpu.memory_space<vmem>>) offsets(%dma_start3A_104 : memref<800xi32, #tpu.memory_space<vmem>>) semaphore(%arg8 : memref<!tpu.dma_semaphore, #tpu.memory_space<semaphore_mem>>)
    %dma_wait3A = arith.constant 0 : i32
    %dma_wait3A_108 = arith.constant 0 : i32
    %dma_wait3A_109 = arith.constant 0 : i32
    %dma_wait3A_110 = arith.constant 0 : i32
    %dma_wait3A_111 = tpu.memref_slice %arg7[%dma_wait3A_108, %dma_wait3A_109, %dma_wait3A_110] : memref<8x800x16xf32, #tpu.memory_space<vmem>> -> memref<1x800x16xf32, #tpu.memory_space<vmem>>
    %dma_wait3A_112 = tpu.memref_squeeze %dma_wait3A_111 : memref<1x800x16xf32, #tpu.memory_space<vmem>> -> memref<800x16xf32, #tpu.memory_space<vmem>>
    %dma_wait3A_113 = arith.constant 0 : i32
    %dma_wait3A_114 = tpu.memref_slice %arg6[%dma_wait3A, %dma_wait3A_113] : memref<8x800xi32, #tpu.memory_space<vmem>> -> memref<1x800xi32, #tpu.memory_space<vmem>>
    %dma_wait3A_115 = tpu.memref_squeeze %dma_wait3A_114 : memref<1x800xi32, #tpu.memory_space<vmem>> -> memref<800xi32, #tpu.memory_space<vmem>>
    %dma_wait3A_116 = arith.constant 0 : i32
    %dma_wait3A_117 = arith.constant 0 : i32
    %dma_wait3A_118 = tpu.memref_slice %arg3[%dma_wait3A_116, %dma_wait3A_117] : memref<100001x16xf32, #tpu.memory_space<hbm>> -> memref<100001x16xf32, #tpu.memory_space<hbm>>
    tpu.wait_indirect_dma semaphore(%arg8 : memref<!tpu.dma_semaphore, #tpu.memory_space<semaphore_mem>>) src(%dma_wait3A_118 : memref<100001x16xf32, #tpu.memory_space<hbm>>) dst(%dma_wait3A_112 : memref<800x16xf32, #tpu.memory_space<vmem>>)
    %dma_wait3A_119 = arith.constant 1 : i32
    %dma_wait3A_120 = arith.constant 1 : i32
    %dma_wait3A_121 = arith.constant 0 : i32
    %dma_wait3A_122 = arith.constant 0 : i32
    %dma_wait3A_123 = tpu.memref_slice %arg7[%dma_wait3A_120, %dma_wait3A_121, %dma_wait3A_122] : memref<8x800x16xf32, #tpu.memory_space<vmem>> -> memref<1x800x16xf32, #tpu.memory_space<vmem>>
    %dma_wait3A_124 = tpu.memref_squeeze %dma_wait3A_123 : memref<1x800x16xf32, #tpu.memory_space<vmem>> -> memref<800x16xf32, #tpu.memory_space<vmem>>
    %dma_wait3A_125 = arith.constant 0 : i32
    %dma_wait3A_126 = tpu.memref_slice %arg6[%dma_wait3A_119, %dma_wait3A_125] : memref<8x800xi32, #tpu.memory_space<vmem>> -> memref<1x800xi32, #tpu.memory_space<vmem>>
    %dma_wait3A_127 = tpu.memref_squeeze %dma_wait3A_126 : memref<1x800xi32, #tpu.memory_space<vmem>> -> memref<800xi32, #tpu.memory_space<vmem>>
    %dma_wait3A_128 = arith.constant 0 : i32
    %dma_wait3A_129 = arith.constant 0 : i32
    %dma_wait3A_130 = tpu.memref_slice %arg3[%dma_wait3A_128, %dma_wait3A_129] : memref<100001x16xf32, #tpu.memory_space<hbm>> -> memref<100001x16xf32, #tpu.memory_space<hbm>>
    tpu.wait_indirect_dma semaphore(%arg8 : memref<!tpu.dma_semaphore, #tpu.memory_space<semaphore_mem>>) src(%dma_wait3A_130 : memref<100001x16xf32, #tpu.memory_space<hbm>>) dst(%dma_wait3A_124 : memref<800x16xf32, #tpu.memory_space<vmem>>)
    %dma_wait3A_131 = arith.constant 2 : i32
    %dma_wait3A_132 = arith.constant 2 : i32
    %dma_wait3A_133 = arith.constant 0 : i32
    %dma_wait3A_134 = arith.constant 0 : i32
    %dma_wait3A_135 = tpu.memref_slice %arg7[%dma_wait3A_132, %dma_wait3A_133, %dma_wait3A_134] : memref<8x800x16xf32, #tpu.memory_space<vmem>> -> memref<1x800x16xf32, #tpu.memory_space<vmem>>
    %dma_wait3A_136 = tpu.memref_squeeze %dma_wait3A_135 : memref<1x800x16xf32, #tpu.memory_space<vmem>> -> memref<800x16xf32, #tpu.memory_space<vmem>>
    %dma_wait3A_137 = arith.constant 0 : i32
    %dma_wait3A_138 = tpu.memref_slice %arg6[%dma_wait3A_131, %dma_wait3A_137] : memref<8x800xi32, #tpu.memory_space<vmem>> -> memref<1x800xi32, #tpu.memory_space<vmem>>
    %dma_wait3A_139 = tpu.memref_squeeze %dma_wait3A_138 : memref<1x800xi32, #tpu.memory_space<vmem>> -> memref<800xi32, #tpu.memory_space<vmem>>
    %dma_wait3A_140 = arith.constant 0 : i32
    %dma_wait3A_141 = arith.constant 0 : i32
    %dma_wait3A_142 = tpu.memref_slice %arg3[%dma_wait3A_140, %dma_wait3A_141] : memref<100001x16xf32, #tpu.memory_space<hbm>> -> memref<100001x16xf32, #tpu.memory_space<hbm>>
    tpu.wait_indirect_dma semaphore(%arg8 : memref<!tpu.dma_semaphore, #tpu.memory_space<semaphore_mem>>) src(%dma_wait3A_142 : memref<100001x16xf32, #tpu.memory_space<hbm>>) dst(%dma_wait3A_136 : memref<800x16xf32, #tpu.memory_space<vmem>>)
    %dma_wait3A_143 = arith.constant 3 : i32
    %dma_wait3A_144 = arith.constant 3 : i32
    %dma_wait3A_145 = arith.constant 0 : i32
    %dma_wait3A_146 = arith.constant 0 : i32
    %dma_wait3A_147 = tpu.memref_slice %arg7[%dma_wait3A_144, %dma_wait3A_145, %dma_wait3A_146] : memref<8x800x16xf32, #tpu.memory_space<vmem>> -> memref<1x800x16xf32, #tpu.memory_space<vmem>>
    %dma_wait3A_148 = tpu.memref_squeeze %dma_wait3A_147 : memref<1x800x16xf32, #tpu.memory_space<vmem>> -> memref<800x16xf32, #tpu.memory_space<vmem>>
    %dma_wait3A_149 = arith.constant 0 : i32
    %dma_wait3A_150 = tpu.memref_slice %arg6[%dma_wait3A_143, %dma_wait3A_149] : memref<8x800xi32, #tpu.memory_space<vmem>> -> memref<1x800xi32, #tpu.memory_space<vmem>>
    %dma_wait3A_151 = tpu.memref_squeeze %dma_wait3A_150 : memref<1x800xi32, #tpu.memory_space<vmem>> -> memref<800xi32, #tpu.memory_space<vmem>>
    %dma_wait3A_152 = arith.constant 0 : i32
    %dma_wait3A_153 = arith.constant 0 : i32
    %dma_wait3A_154 = tpu.memref_slice %arg3[%dma_wait3A_152, %dma_wait3A_153] : memref<100001x16xf32, #tpu.memory_space<hbm>> -> memref<100001x16xf32, #tpu.memory_space<hbm>>
    tpu.wait_indirect_dma semaphore(%arg8 : memref<!tpu.dma_semaphore, #tpu.memory_space<semaphore_mem>>) src(%dma_wait3A_154 : memref<100001x16xf32, #tpu.memory_space<hbm>>) dst(%dma_wait3A_148 : memref<800x16xf32, #tpu.memory_space<vmem>>)
    %dma_wait3A_155 = arith.constant 4 : i32
    %dma_wait3A_156 = arith.constant 4 : i32
    %dma_wait3A_157 = arith.constant 0 : i32
    %dma_wait3A_158 = arith.constant 0 : i32
    %dma_wait3A_159 = tpu.memref_slice %arg7[%dma_wait3A_156, %dma_wait3A_157, %dma_wait3A_158] : memref<8x800x16xf32, #tpu.memory_space<vmem>> -> memref<1x800x16xf32, #tpu.memory_space<vmem>>
    %dma_wait3A_160 = tpu.memref_squeeze %dma_wait3A_159 : memref<1x800x16xf32, #tpu.memory_space<vmem>> -> memref<800x16xf32, #tpu.memory_space<vmem>>
    %dma_wait3A_161 = arith.constant 0 : i32
    %dma_wait3A_162 = tpu.memref_slice %arg6[%dma_wait3A_155, %dma_wait3A_161] : memref<8x800xi32, #tpu.memory_space<vmem>> -> memref<1x800xi32, #tpu.memory_space<vmem>>
    %dma_wait3A_163 = tpu.memref_squeeze %dma_wait3A_162 : memref<1x800xi32, #tpu.memory_space<vmem>> -> memref<800xi32, #tpu.memory_space<vmem>>
    %dma_wait3A_164 = arith.constant 0 : i32
    %dma_wait3A_165 = arith.constant 0 : i32
    %dma_wait3A_166 = tpu.memref_slice %arg3[%dma_wait3A_164, %dma_wait3A_165] : memref<100001x16xf32, #tpu.memory_space<hbm>> -> memref<100001x16xf32, #tpu.memory_space<hbm>>
    tpu.wait_indirect_dma semaphore(%arg8 : memref<!tpu.dma_semaphore, #tpu.memory_space<semaphore_mem>>) src(%dma_wait3A_166 : memref<100001x16xf32, #tpu.memory_space<hbm>>) dst(%dma_wait3A_160 : memref<800x16xf32, #tpu.memory_space<vmem>>)
    %dma_wait3A_167 = arith.constant 5 : i32
    %dma_wait3A_168 = arith.constant 5 : i32
    %dma_wait3A_169 = arith.constant 0 : i32
    %dma_wait3A_170 = arith.constant 0 : i32
    %dma_wait3A_171 = tpu.memref_slice %arg7[%dma_wait3A_168, %dma_wait3A_169, %dma_wait3A_170] : memref<8x800x16xf32, #tpu.memory_space<vmem>> -> memref<1x800x16xf32, #tpu.memory_space<vmem>>
    %dma_wait3A_172 = tpu.memref_squeeze %dma_wait3A_171 : memref<1x800x16xf32, #tpu.memory_space<vmem>> -> memref<800x16xf32, #tpu.memory_space<vmem>>
    %dma_wait3A_173 = arith.constant 0 : i32
    %dma_wait3A_174 = tpu.memref_slice %arg6[%dma_wait3A_167, %dma_wait3A_173] : memref<8x800xi32, #tpu.memory_space<vmem>> -> memref<1x800xi32, #tpu.memory_space<vmem>>
    %dma_wait3A_175 = tpu.memref_squeeze %dma_wait3A_174 : memref<1x800xi32, #tpu.memory_space<vmem>> -> memref<800xi32, #tpu.memory_space<vmem>>
    %dma_wait3A_176 = arith.constant 0 : i32
    %dma_wait3A_177 = arith.constant 0 : i32
    %dma_wait3A_178 = tpu.memref_slice %arg3[%dma_wait3A_176, %dma_wait3A_177] : memref<100001x16xf32, #tpu.memory_space<hbm>> -> memref<100001x16xf32, #tpu.memory_space<hbm>>
    tpu.wait_indirect_dma semaphore(%arg8 : memref<!tpu.dma_semaphore, #tpu.memory_space<semaphore_mem>>) src(%dma_wait3A_178 : memref<100001x16xf32, #tpu.memory_space<hbm>>) dst(%dma_wait3A_172 : memref<800x16xf32, #tpu.memory_space<vmem>>)
    %dma_wait3A_179 = arith.constant 6 : i32
    %dma_wait3A_180 = arith.constant 6 : i32
    %dma_wait3A_181 = arith.constant 0 : i32
    %dma_wait3A_182 = arith.constant 0 : i32
    %dma_wait3A_183 = tpu.memref_slice %arg7[%dma_wait3A_180, %dma_wait3A_181, %dma_wait3A_182] : memref<8x800x16xf32, #tpu.memory_space<vmem>> -> memref<1x800x16xf32, #tpu.memory_space<vmem>>
    %dma_wait3A_184 = tpu.memref_squeeze %dma_wait3A_183 : memref<1x800x16xf32, #tpu.memory_space<vmem>> -> memref<800x16xf32, #tpu.memory_space<vmem>>
    %dma_wait3A_185 = arith.constant 0 : i32
    %dma_wait3A_186 = tpu.memref_slice %arg6[%dma_wait3A_179, %dma_wait3A_185] : memref<8x800xi32, #tpu.memory_space<vmem>> -> memref<1x800xi32, #tpu.memory_space<vmem>>
    %dma_wait3A_187 = tpu.memref_squeeze %dma_wait3A_186 : memref<1x800xi32, #tpu.memory_space<vmem>> -> memref<800xi32, #tpu.memory_space<vmem>>
    %dma_wait3A_188 = arith.constant 0 : i32
    %dma_wait3A_189 = arith.constant 0 : i32
    %dma_wait3A_190 = tpu.memref_slice %arg3[%dma_wait3A_188, %dma_wait3A_189] : memref<100001x16xf32, #tpu.memory_space<hbm>> -> memref<100001x16xf32, #tpu.memory_space<hbm>>
    tpu.wait_indirect_dma semaphore(%arg8 : memref<!tpu.dma_semaphore, #tpu.memory_space<semaphore_mem>>) src(%dma_wait3A_190 : memref<100001x16xf32, #tpu.memory_space<hbm>>) dst(%dma_wait3A_184 : memref<800x16xf32, #tpu.memory_space<vmem>>)
    %dma_wait3A_191 = arith.constant 7 : i32
    %dma_wait3A_192 = arith.constant 7 : i32
    %dma_wait3A_193 = arith.constant 0 : i32
    %dma_wait3A_194 = arith.constant 0 : i32
    %dma_wait3A_195 = tpu.memref_slice %arg7[%dma_wait3A_192, %dma_wait3A_193, %dma_wait3A_194] : memref<8x800x16xf32, #tpu.memory_space<vmem>> -> memref<1x800x16xf32, #tpu.memory_space<vmem>>
    %dma_wait3A_196 = tpu.memref_squeeze %dma_wait3A_195 : memref<1x800x16xf32, #tpu.memory_space<vmem>> -> memref<800x16xf32, #tpu.memory_space<vmem>>
    %dma_wait3A_197 = arith.constant 0 : i32
    %dma_wait3A_198 = tpu.memref_slice %arg6[%dma_wait3A_191, %dma_wait3A_197] : memref<8x800xi32, #tpu.memory_space<vmem>> -> memref<1x800xi32, #tpu.memory_space<vmem>>
    %dma_wait3A_199 = tpu.memref_squeeze %dma_wait3A_198 : memref<1x800xi32, #tpu.memory_space<vmem>> -> memref<800xi32, #tpu.memory_space<vmem>>
    %dma_wait3A_200 = arith.constant 0 : i32
    %dma_wait3A_201 = arith.constant 0 : i32
    %dma_wait3A_202 = tpu.memref_slice %arg3[%dma_wait3A_200, %dma_wait3A_201] : memref<100001x16xf32, #tpu.memory_space<hbm>> -> memref<100001x16xf32, #tpu.memory_space<hbm>>
    tpu.wait_indirect_dma semaphore(%arg8 : memref<!tpu.dma_semaphore, #tpu.memory_space<semaphore_mem>>) src(%dma_wait3A_202 : memref<100001x16xf32, #tpu.memory_space<hbm>>) dst(%dma_wait3A_196 : memref<800x16xf32, #tpu.memory_space<vmem>>)
    %dma_start3A_203 = arith.constant 0 : i32
    %dma_start3A_204 = arith.constant 0 : i32
    %dma_start3A_205 = arith.constant 0 : i32
    %dma_start3A_206 = tpu.memref_slice %arg7[%dma_start3A_203, %dma_start3A_204, %dma_start3A_205] : memref<8x800x16xf32, #tpu.memory_space<vmem>> -> memref<1x800x16xf32, #tpu.memory_space<vmem>>
    %dma_start3A_207 = tpu.memref_squeeze %dma_start3A_206 : memref<1x800x16xf32, #tpu.memory_space<vmem>> -> memref<800x16xf32, #tpu.memory_space<vmem>>
    %dma_start3A_208 = arith.constant 0 : i32
    %dma_start3A_209 = tpu.memref_slice %arg4[%mul3A_4, %dma_start3A_208] : memref<25600x128xf32, #tpu.memory_space<hbm>> -> memref<800x16xf32, #tpu.memory_space<hbm>>
    %dma_start3A_210 = arith.constant 0 : i32
    %dma_start3A_211 = tpu.memref_slice %arg4[%mul3A_4, %dma_start3A_210] : memref<25600x128xf32, #tpu.memory_space<hbm>> -> memref<800x16xf32, #tpu.memory_space<hbm>>
    %dma_start3A_212 = arith.constant 0 : i32
    %dma_start3A_213 = arith.constant 0 : i32
    %dma_start3A_214 = tpu.memref_slice %arg7[%dma_start3A_203, %dma_start3A_212, %dma_start3A_213] : memref<8x800x16xf32, #tpu.memory_space<vmem>> -> memref<1x800x16xf32, #tpu.memory_space<vmem>>
    %dma_start3A_215 = tpu.memref_squeeze %dma_start3A_214 : memref<1x800x16xf32, #tpu.memory_space<vmem>> -> memref<800x16xf32, #tpu.memory_space<vmem>>
    tpu.enqueue_dma source(%dma_start3A_215 : memref<800x16xf32, #tpu.memory_space<vmem>>) target(%dma_start3A_211 : memref<800x16xf32, #tpu.memory_space<hbm>>) target_semaphore(%arg9 : memref<!tpu.dma_semaphore, #tpu.memory_space<semaphore_mem>>)
    %dma_start3A_216 = arith.constant 1 : i32
    %dma_start3A_217 = arith.constant 0 : i32
    %dma_start3A_218 = arith.constant 0 : i32
    %dma_start3A_219 = tpu.memref_slice %arg7[%dma_start3A_216, %dma_start3A_217, %dma_start3A_218] : memref<8x800x16xf32, #tpu.memory_space<vmem>> -> memref<1x800x16xf32, #tpu.memory_space<vmem>>
    %dma_start3A_220 = tpu.memref_squeeze %dma_start3A_219 : memref<1x800x16xf32, #tpu.memory_space<vmem>> -> memref<800x16xf32, #tpu.memory_space<vmem>>
    %dma_start3A_221 = arith.constant 16 : i32
    %dma_start3A_222 = tpu.memref_slice %arg4[%mul3A_4, %dma_start3A_221] : memref<25600x128xf32, #tpu.memory_space<hbm>> -> memref<800x16xf32, #tpu.memory_space<hbm>>
    %dma_start3A_223 = arith.constant 16 : i32
    %dma_start3A_224 = tpu.memref_slice %arg4[%mul3A_4, %dma_start3A_223] : memref<25600x128xf32, #tpu.memory_space<hbm>> -> memref<800x16xf32, #tpu.memory_space<hbm>>
    %dma_start3A_225 = arith.constant 0 : i32
    %dma_start3A_226 = arith.constant 0 : i32
    %dma_start3A_227 = tpu.memref_slice %arg7[%dma_start3A_216, %dma_start3A_225, %dma_start3A_226] : memref<8x800x16xf32, #tpu.memory_space<vmem>> -> memref<1x800x16xf32, #tpu.memory_space<vmem>>
    %dma_start3A_228 = tpu.memref_squeeze %dma_start3A_227 : memref<1x800x16xf32, #tpu.memory_space<vmem>> -> memref<800x16xf32, #tpu.memory_space<vmem>>
    tpu.enqueue_dma source(%dma_start3A_228 : memref<800x16xf32, #tpu.memory_space<vmem>>) target(%dma_start3A_224 : memref<800x16xf32, #tpu.memory_space<hbm>>) target_semaphore(%arg9 : memref<!tpu.dma_semaphore, #tpu.memory_space<semaphore_mem>>)
    %dma_start3A_229 = arith.constant 2 : i32
    %dma_start3A_230 = arith.constant 0 : i32
    %dma_start3A_231 = arith.constant 0 : i32
    %dma_start3A_232 = tpu.memref_slice %arg7[%dma_start3A_229, %dma_start3A_230, %dma_start3A_231] : memref<8x800x16xf32, #tpu.memory_space<vmem>> -> memref<1x800x16xf32, #tpu.memory_space<vmem>>
    %dma_start3A_233 = tpu.memref_squeeze %dma_start3A_232 : memref<1x800x16xf32, #tpu.memory_space<vmem>> -> memref<800x16xf32, #tpu.memory_space<vmem>>
    %dma_start3A_234 = arith.constant 32 : i32
    %dma_start3A_235 = tpu.memref_slice %arg4[%mul3A_4, %dma_start3A_234] : memref<25600x128xf32, #tpu.memory_space<hbm>> -> memref<800x16xf32, #tpu.memory_space<hbm>>
    %dma_start3A_236 = arith.constant 32 : i32
    %dma_start3A_237 = tpu.memref_slice %arg4[%mul3A_4, %dma_start3A_236] : memref<25600x128xf32, #tpu.memory_space<hbm>> -> memref<800x16xf32, #tpu.memory_space<hbm>>
    %dma_start3A_238 = arith.constant 0 : i32
    %dma_start3A_239 = arith.constant 0 : i32
    %dma_start3A_240 = tpu.memref_slice %arg7[%dma_start3A_229, %dma_start3A_238, %dma_start3A_239] : memref<8x800x16xf32, #tpu.memory_space<vmem>> -> memref<1x800x16xf32, #tpu.memory_space<vmem>>
    %dma_start3A_241 = tpu.memref_squeeze %dma_start3A_240 : memref<1x800x16xf32, #tpu.memory_space<vmem>> -> memref<800x16xf32, #tpu.memory_space<vmem>>
    tpu.enqueue_dma source(%dma_start3A_241 : memref<800x16xf32, #tpu.memory_space<vmem>>) target(%dma_start3A_237 : memref<800x16xf32, #tpu.memory_space<hbm>>) target_semaphore(%arg9 : memref<!tpu.dma_semaphore, #tpu.memory_space<semaphore_mem>>)
    %dma_start3A_242 = arith.constant 3 : i32
    %dma_start3A_243 = arith.constant 0 : i32
    %dma_start3A_244 = arith.constant 0 : i32
    %dma_start3A_245 = tpu.memref_slice %arg7[%dma_start3A_242, %dma_start3A_243, %dma_start3A_244] : memref<8x800x16xf32, #tpu.memory_space<vmem>> -> memref<1x800x16xf32, #tpu.memory_space<vmem>>
    %dma_start3A_246 = tpu.memref_squeeze %dma_start3A_245 : memref<1x800x16xf32, #tpu.memory_space<vmem>> -> memref<800x16xf32, #tpu.memory_space<vmem>>
    %dma_start3A_247 = arith.constant 48 : i32
    %dma_start3A_248 = tpu.memref_slice %arg4[%mul3A_4, %dma_start3A_247] : memref<25600x128xf32, #tpu.memory_space<hbm>> -> memref<800x16xf32, #tpu.memory_space<hbm>>
    %dma_start3A_249 = arith.constant 48 : i32
    %dma_start3A_250 = tpu.memref_slice %arg4[%mul3A_4, %dma_start3A_249] : memref<25600x128xf32, #tpu.memory_space<hbm>> -> memref<800x16xf32, #tpu.memory_space<hbm>>
    %dma_start3A_251 = arith.constant 0 : i32
    %dma_start3A_252 = arith.constant 0 : i32
    %dma_start3A_253 = tpu.memref_slice %arg7[%dma_start3A_242, %dma_start3A_251, %dma_start3A_252] : memref<8x800x16xf32, #tpu.memory_space<vmem>> -> memref<1x800x16xf32, #tpu.memory_space<vmem>>
    %dma_start3A_254 = tpu.memref_squeeze %dma_start3A_253 : memref<1x800x16xf32, #tpu.memory_space<vmem>> -> memref<800x16xf32, #tpu.memory_space<vmem>>
    tpu.enqueue_dma source(%dma_start3A_254 : memref<800x16xf32, #tpu.memory_space<vmem>>) target(%dma_start3A_250 : memref<800x16xf32, #tpu.memory_space<hbm>>) target_semaphore(%arg9 : memref<!tpu.dma_semaphore, #tpu.memory_space<semaphore_mem>>)
    %dma_start3A_255 = arith.constant 4 : i32
    %dma_start3A_256 = arith.constant 0 : i32
    %dma_start3A_257 = arith.constant 0 : i32
    %dma_start3A_258 = tpu.memref_slice %arg7[%dma_start3A_255, %dma_start3A_256, %dma_start3A_257] : memref<8x800x16xf32, #tpu.memory_space<vmem>> -> memref<1x800x16xf32, #tpu.memory_space<vmem>>
    %dma_start3A_259 = tpu.memref_squeeze %dma_start3A_258 : memref<1x800x16xf32, #tpu.memory_space<vmem>> -> memref<800x16xf32, #tpu.memory_space<vmem>>
    %dma_start3A_260 = arith.constant 64 : i32
    %dma_start3A_261 = tpu.memref_slice %arg4[%mul3A_4, %dma_start3A_260] : memref<25600x128xf32, #tpu.memory_space<hbm>> -> memref<800x16xf32, #tpu.memory_space<hbm>>
    %dma_start3A_262 = arith.constant 64 : i32
    %dma_start3A_263 = tpu.memref_slice %arg4[%mul3A_4, %dma_start3A_262] : memref<25600x128xf32, #tpu.memory_space<hbm>> -> memref<800x16xf32, #tpu.memory_space<hbm>>
    %dma_start3A_264 = arith.constant 0 : i32
    %dma_start3A_265 = arith.constant 0 : i32
    %dma_start3A_266 = tpu.memref_slice %arg7[%dma_start3A_255, %dma_start3A_264, %dma_start3A_265] : memref<8x800x16xf32, #tpu.memory_space<vmem>> -> memref<1x800x16xf32, #tpu.memory_space<vmem>>
    %dma_start3A_267 = tpu.memref_squeeze %dma_start3A_266 : memref<1x800x16xf32, #tpu.memory_space<vmem>> -> memref<800x16xf32, #tpu.memory_space<vmem>>
    tpu.enqueue_dma source(%dma_start3A_267 : memref<800x16xf32, #tpu.memory_space<vmem>>) target(%dma_start3A_263 : memref<800x16xf32, #tpu.memory_space<hbm>>) target_semaphore(%arg9 : memref<!tpu.dma_semaphore, #tpu.memory_space<semaphore_mem>>)
    %dma_start3A_268 = arith.constant 5 : i32
    %dma_start3A_269 = arith.constant 0 : i32
    %dma_start3A_270 = arith.constant 0 : i32
    %dma_start3A_271 = tpu.memref_slice %arg7[%dma_start3A_268, %dma_start3A_269, %dma_start3A_270] : memref<8x800x16xf32, #tpu.memory_space<vmem>> -> memref<1x800x16xf32, #tpu.memory_space<vmem>>
    %dma_start3A_272 = tpu.memref_squeeze %dma_start3A_271 : memref<1x800x16xf32, #tpu.memory_space<vmem>> -> memref<800x16xf32, #tpu.memory_space<vmem>>
    %dma_start3A_273 = arith.constant 80 : i32
    %dma_start3A_274 = tpu.memref_slice %arg4[%mul3A_4, %dma_start3A_273] : memref<25600x128xf32, #tpu.memory_space<hbm>> -> memref<800x16xf32, #tpu.memory_space<hbm>>
    %dma_start3A_275 = arith.constant 80 : i32
    %dma_start3A_276 = tpu.memref_slice %arg4[%mul3A_4, %dma_start3A_275] : memref<25600x128xf32, #tpu.memory_space<hbm>> -> memref<800x16xf32, #tpu.memory_space<hbm>>
    %dma_start3A_277 = arith.constant 0 : i32
    %dma_start3A_278 = arith.constant 0 : i32
    %dma_start3A_279 = tpu.memref_slice %arg7[%dma_start3A_268, %dma_start3A_277, %dma_start3A_278] : memref<8x800x16xf32, #tpu.memory_space<vmem>> -> memref<1x800x16xf32, #tpu.memory_space<vmem>>
    %dma_start3A_280 = tpu.memref_squeeze %dma_start3A_279 : memref<1x800x16xf32, #tpu.memory_space<vmem>> -> memref<800x16xf32, #tpu.memory_space<vmem>>
    tpu.enqueue_dma source(%dma_start3A_280 : memref<800x16xf32, #tpu.memory_space<vmem>>) target(%dma_start3A_276 : memref<800x16xf32, #tpu.memory_space<hbm>>) target_semaphore(%arg9 : memref<!tpu.dma_semaphore, #tpu.memory_space<semaphore_mem>>)
    %dma_start3A_281 = arith.constant 6 : i32
    %dma_start3A_282 = arith.constant 0 : i32
    %dma_start3A_283 = arith.constant 0 : i32
    %dma_start3A_284 = tpu.memref_slice %arg7[%dma_start3A_281, %dma_start3A_282, %dma_start3A_283] : memref<8x800x16xf32, #tpu.memory_space<vmem>> -> memref<1x800x16xf32, #tpu.memory_space<vmem>>
    %dma_start3A_285 = tpu.memref_squeeze %dma_start3A_284 : memref<1x800x16xf32, #tpu.memory_space<vmem>> -> memref<800x16xf32, #tpu.memory_space<vmem>>
    %dma_start3A_286 = arith.constant 96 : i32
    %dma_start3A_287 = tpu.memref_slice %arg4[%mul3A_4, %dma_start3A_286] : memref<25600x128xf32, #tpu.memory_space<hbm>> -> memref<800x16xf32, #tpu.memory_space<hbm>>
    %dma_start3A_288 = arith.constant 96 : i32
    %dma_start3A_289 = tpu.memref_slice %arg4[%mul3A_4, %dma_start3A_288] : memref<25600x128xf32, #tpu.memory_space<hbm>> -> memref<800x16xf32, #tpu.memory_space<hbm>>
    %dma_start3A_290 = arith.constant 0 : i32
    %dma_start3A_291 = arith.constant 0 : i32
    %dma_start3A_292 = tpu.memref_slice %arg7[%dma_start3A_281, %dma_start3A_290, %dma_start3A_291] : memref<8x800x16xf32, #tpu.memory_space<vmem>> -> memref<1x800x16xf32, #tpu.memory_space<vmem>>
    %dma_start3A_293 = tpu.memref_squeeze %dma_start3A_292 : memref<1x800x16xf32, #tpu.memory_space<vmem>> -> memref<800x16xf32, #tpu.memory_space<vmem>>
    tpu.enqueue_dma source(%dma_start3A_293 : memref<800x16xf32, #tpu.memory_space<vmem>>) target(%dma_start3A_289 : memref<800x16xf32, #tpu.memory_space<hbm>>) target_semaphore(%arg9 : memref<!tpu.dma_semaphore, #tpu.memory_space<semaphore_mem>>)
    %dma_start3A_294 = arith.constant 7 : i32
    %dma_start3A_295 = arith.constant 0 : i32
    %dma_start3A_296 = arith.constant 0 : i32
    %dma_start3A_297 = tpu.memref_slice %arg7[%dma_start3A_294, %dma_start3A_295, %dma_start3A_296] : memref<8x800x16xf32, #tpu.memory_space<vmem>> -> memref<1x800x16xf32, #tpu.memory_space<vmem>>
    %dma_start3A_298 = tpu.memref_squeeze %dma_start3A_297 : memref<1x800x16xf32, #tpu.memory_space<vmem>> -> memref<800x16xf32, #tpu.memory_space<vmem>>
    %dma_start3A_299 = arith.constant 112 : i32
    %dma_start3A_300 = tpu.memref_slice %arg4[%mul3A_4, %dma_start3A_299] : memref<25600x128xf32, #tpu.memory_space<hbm>> -> memref<800x16xf32, #tpu.memory_space<hbm>>
    %dma_start3A_301 = arith.constant 112 : i32
    %dma_start3A_302 = tpu.memref_slice %arg4[%mul3A_4, %dma_start3A_301] : memref<25600x128xf32, #tpu.memory_space<hbm>> -> memref<800x16xf32, #tpu.memory_space<hbm>>
    %dma_start3A_303 = arith.constant 0 : i32
    %dma_start3A_304 = arith.constant 0 : i32
    %dma_start3A_305 = tpu.memref_slice %arg7[%dma_start3A_294, %dma_start3A_303, %dma_start3A_304] : memref<8x800x16xf32, #tpu.memory_space<vmem>> -> memref<1x800x16xf32, #tpu.memory_space<vmem>>
    %dma_start3A_306 = tpu.memref_squeeze %dma_start3A_305 : memref<1x800x16xf32, #tpu.memory_space<vmem>> -> memref<800x16xf32, #tpu.memory_space<vmem>>
    tpu.enqueue_dma source(%dma_start3A_306 : memref<800x16xf32, #tpu.memory_space<vmem>>) target(%dma_start3A_302 : memref<800x16xf32, #tpu.memory_space<hbm>>) target_semaphore(%arg9 : memref<!tpu.dma_semaphore, #tpu.memory_space<semaphore_mem>>)
    %dma_wait3A_307 = arith.constant 0 : i32
    %dma_wait3A_308 = arith.constant 0 : i32
    %dma_wait3A_309 = arith.constant 0 : i32
    %dma_wait3A_310 = tpu.memref_slice %arg7[%dma_wait3A_307, %dma_wait3A_308, %dma_wait3A_309] : memref<8x800x16xf32, #tpu.memory_space<vmem>> -> memref<1x800x16xf32, #tpu.memory_space<vmem>>
    %dma_wait3A_311 = tpu.memref_squeeze %dma_wait3A_310 : memref<1x800x16xf32, #tpu.memory_space<vmem>> -> memref<800x16xf32, #tpu.memory_space<vmem>>
    %dma_wait3A_312 = arith.constant 0 : i32
    %dma_wait3A_313 = tpu.memref_slice %arg4[%mul3A_4, %dma_wait3A_312] : memref<25600x128xf32, #tpu.memory_space<hbm>> -> memref<800x16xf32, #tpu.memory_space<hbm>>
    %dma_wait3A_314 = arith.constant 0 : i32
    %dma_wait3A_315 = tpu.memref_slice %arg4[%mul3A_4, %dma_wait3A_314] : memref<25600x128xf32, #tpu.memory_space<hbm>> -> memref<800x16xf32, #tpu.memory_space<hbm>>
    %dma_wait3A_316 = arith.constant 0 : i32
    %dma_wait3A_317 = arith.constant 0 : i32
    %dma_wait3A_318 = tpu.memref_slice %arg7[%dma_wait3A_307, %dma_wait3A_316, %dma_wait3A_317] : memref<8x800x16xf32, #tpu.memory_space<vmem>> -> memref<1x800x16xf32, #tpu.memory_space<vmem>>
    %dma_wait3A_319 = tpu.memref_squeeze %dma_wait3A_318 : memref<1x800x16xf32, #tpu.memory_space<vmem>> -> memref<800x16xf32, #tpu.memory_space<vmem>>
    tpu.wait_dma2 semaphore(%arg9 : memref<!tpu.dma_semaphore, #tpu.memory_space<semaphore_mem>>) src(%dma_wait3A_319 : memref<800x16xf32, #tpu.memory_space<vmem>>) dst(%dma_wait3A_315 : memref<800x16xf32, #tpu.memory_space<hbm>>)
    %dma_wait3A_320 = arith.constant 1 : i32
    %dma_wait3A_321 = arith.constant 0 : i32
    %dma_wait3A_322 = arith.constant 0 : i32
    %dma_wait3A_323 = tpu.memref_slice %arg7[%dma_wait3A_320, %dma_wait3A_321, %dma_wait3A_322] : memref<8x800x16xf32, #tpu.memory_space<vmem>> -> memref<1x800x16xf32, #tpu.memory_space<vmem>>
    %dma_wait3A_324 = tpu.memref_squeeze %dma_wait3A_323 : memref<1x800x16xf32, #tpu.memory_space<vmem>> -> memref<800x16xf32, #tpu.memory_space<vmem>>
    %dma_wait3A_325 = arith.constant 16 : i32
    %dma_wait3A_326 = tpu.memref_slice %arg4[%mul3A_4, %dma_wait3A_325] : memref<25600x128xf32, #tpu.memory_space<hbm>> -> memref<800x16xf32, #tpu.memory_space<hbm>>
    %dma_wait3A_327 = arith.constant 16 : i32
    %dma_wait3A_328 = tpu.memref_slice %arg4[%mul3A_4, %dma_wait3A_327] : memref<25600x128xf32, #tpu.memory_space<hbm>> -> memref<800x16xf32, #tpu.memory_space<hbm>>
    %dma_wait3A_329 = arith.constant 0 : i32
    %dma_wait3A_330 = arith.constant 0 : i32
    %dma_wait3A_331 = tpu.memref_slice %arg7[%dma_wait3A_320, %dma_wait3A_329, %dma_wait3A_330] : memref<8x800x16xf32, #tpu.memory_space<vmem>> -> memref<1x800x16xf32, #tpu.memory_space<vmem>>
    %dma_wait3A_332 = tpu.memref_squeeze %dma_wait3A_331 : memref<1x800x16xf32, #tpu.memory_space<vmem>> -> memref<800x16xf32, #tpu.memory_space<vmem>>
    tpu.wait_dma2 semaphore(%arg9 : memref<!tpu.dma_semaphore, #tpu.memory_space<semaphore_mem>>) src(%dma_wait3A_332 : memref<800x16xf32, #tpu.memory_space<vmem>>) dst(%dma_wait3A_328 : memref<800x16xf32, #tpu.memory_space<hbm>>)
    %dma_wait3A_333 = arith.constant 2 : i32
    %dma_wait3A_334 = arith.constant 0 : i32
    %dma_wait3A_335 = arith.constant 0 : i32
    %dma_wait3A_336 = tpu.memref_slice %arg7[%dma_wait3A_333, %dma_wait3A_334, %dma_wait3A_335] : memref<8x800x16xf32, #tpu.memory_space<vmem>> -> memref<1x800x16xf32, #tpu.memory_space<vmem>>
    %dma_wait3A_337 = tpu.memref_squeeze %dma_wait3A_336 : memref<1x800x16xf32, #tpu.memory_space<vmem>> -> memref<800x16xf32, #tpu.memory_space<vmem>>
    %dma_wait3A_338 = arith.constant 32 : i32
    %dma_wait3A_339 = tpu.memref_slice %arg4[%mul3A_4, %dma_wait3A_338] : memref<25600x128xf32, #tpu.memory_space<hbm>> -> memref<800x16xf32, #tpu.memory_space<hbm>>
    %dma_wait3A_340 = arith.constant 32 : i32
    %dma_wait3A_341 = tpu.memref_slice %arg4[%mul3A_4, %dma_wait3A_340] : memref<25600x128xf32, #tpu.memory_space<hbm>> -> memref<800x16xf32, #tpu.memory_space<hbm>>
    %dma_wait3A_342 = arith.constant 0 : i32
    %dma_wait3A_343 = arith.constant 0 : i32
    %dma_wait3A_344 = tpu.memref_slice %arg7[%dma_wait3A_333, %dma_wait3A_342, %dma_wait3A_343] : memref<8x800x16xf32, #tpu.memory_space<vmem>> -> memref<1x800x16xf32, #tpu.memory_space<vmem>>
    %dma_wait3A_345 = tpu.memref_squeeze %dma_wait3A_344 : memref<1x800x16xf32, #tpu.memory_space<vmem>> -> memref<800x16xf32, #tpu.memory_space<vmem>>
    tpu.wait_dma2 semaphore(%arg9 : memref<!tpu.dma_semaphore, #tpu.memory_space<semaphore_mem>>) src(%dma_wait3A_345 : memref<800x16xf32, #tpu.memory_space<vmem>>) dst(%dma_wait3A_341 : memref<800x16xf32, #tpu.memory_space<hbm>>)
    %dma_wait3A_346 = arith.constant 3 : i32
    %dma_wait3A_347 = arith.constant 0 : i32
    %dma_wait3A_348 = arith.constant 0 : i32
    %dma_wait3A_349 = tpu.memref_slice %arg7[%dma_wait3A_346, %dma_wait3A_347, %dma_wait3A_348] : memref<8x800x16xf32, #tpu.memory_space<vmem>> -> memref<1x800x16xf32, #tpu.memory_space<vmem>>
    %dma_wait3A_350 = tpu.memref_squeeze %dma_wait3A_349 : memref<1x800x16xf32, #tpu.memory_space<vmem>> -> memref<800x16xf32, #tpu.memory_space<vmem>>
    %dma_wait3A_351 = arith.constant 48 : i32
    %dma_wait3A_352 = tpu.memref_slice %arg4[%mul3A_4, %dma_wait3A_351] : memref<25600x128xf32, #tpu.memory_space<hbm>> -> memref<800x16xf32, #tpu.memory_space<hbm>>
    %dma_wait3A_353 = arith.constant 48 : i32
    %dma_wait3A_354 = tpu.memref_slice %arg4[%mul3A_4, %dma_wait3A_353] : memref<25600x128xf32, #tpu.memory_space<hbm>> -> memref<800x16xf32, #tpu.memory_space<hbm>>
    %dma_wait3A_355 = arith.constant 0 : i32
    %dma_wait3A_356 = arith.constant 0 : i32
    %dma_wait3A_357 = tpu.memref_slice %arg7[%dma_wait3A_346, %dma_wait3A_355, %dma_wait3A_356] : memref<8x800x16xf32, #tpu.memory_space<vmem>> -> memref<1x800x16xf32, #tpu.memory_space<vmem>>
    %dma_wait3A_358 = tpu.memref_squeeze %dma_wait3A_357 : memref<1x800x16xf32, #tpu.memory_space<vmem>> -> memref<800x16xf32, #tpu.memory_space<vmem>>
    tpu.wait_dma2 semaphore(%arg9 : memref<!tpu.dma_semaphore, #tpu.memory_space<semaphore_mem>>) src(%dma_wait3A_358 : memref<800x16xf32, #tpu.memory_space<vmem>>) dst(%dma_wait3A_354 : memref<800x16xf32, #tpu.memory_space<hbm>>)
    %dma_wait3A_359 = arith.constant 4 : i32
    %dma_wait3A_360 = arith.constant 0 : i32
    %dma_wait3A_361 = arith.constant 0 : i32
    %dma_wait3A_362 = tpu.memref_slice %arg7[%dma_wait3A_359, %dma_wait3A_360, %dma_wait3A_361] : memref<8x800x16xf32, #tpu.memory_space<vmem>> -> memref<1x800x16xf32, #tpu.memory_space<vmem>>
    %dma_wait3A_363 = tpu.memref_squeeze %dma_wait3A_362 : memref<1x800x16xf32, #tpu.memory_space<vmem>> -> memref<800x16xf32, #tpu.memory_space<vmem>>
    %dma_wait3A_364 = arith.constant 64 : i32
    %dma_wait3A_365 = tpu.memref_slice %arg4[%mul3A_4, %dma_wait3A_364] : memref<25600x128xf32, #tpu.memory_space<hbm>> -> memref<800x16xf32, #tpu.memory_space<hbm>>
    %dma_wait3A_366 = arith.constant 64 : i32
    %dma_wait3A_367 = tpu.memref_slice %arg4[%mul3A_4, %dma_wait3A_366] : memref<25600x128xf32, #tpu.memory_space<hbm>> -> memref<800x16xf32, #tpu.memory_space<hbm>>
    %dma_wait3A_368 = arith.constant 0 : i32
    %dma_wait3A_369 = arith.constant 0 : i32
    %dma_wait3A_370 = tpu.memref_slice %arg7[%dma_wait3A_359, %dma_wait3A_368, %dma_wait3A_369] : memref<8x800x16xf32, #tpu.memory_space<vmem>> -> memref<1x800x16xf32, #tpu.memory_space<vmem>>
    %dma_wait3A_371 = tpu.memref_squeeze %dma_wait3A_370 : memref<1x800x16xf32, #tpu.memory_space<vmem>> -> memref<800x16xf32, #tpu.memory_space<vmem>>
    tpu.wait_dma2 semaphore(%arg9 : memref<!tpu.dma_semaphore, #tpu.memory_space<semaphore_mem>>) src(%dma_wait3A_371 : memref<800x16xf32, #tpu.memory_space<vmem>>) dst(%dma_wait3A_367 : memref<800x16xf32, #tpu.memory_space<hbm>>)
    %dma_wait3A_372 = arith.constant 5 : i32
    %dma_wait3A_373 = arith.constant 0 : i32
    %dma_wait3A_374 = arith.constant 0 : i32
    %dma_wait3A_375 = tpu.memref_slice %arg7[%dma_wait3A_372, %dma_wait3A_373, %dma_wait3A_374] : memref<8x800x16xf32, #tpu.memory_space<vmem>> -> memref<1x800x16xf32, #tpu.memory_space<vmem>>
    %dma_wait3A_376 = tpu.memref_squeeze %dma_wait3A_375 : memref<1x800x16xf32, #tpu.memory_space<vmem>> -> memref<800x16xf32, #tpu.memory_space<vmem>>
    %dma_wait3A_377 = arith.constant 80 : i32
    %dma_wait3A_378 = tpu.memref_slice %arg4[%mul3A_4, %dma_wait3A_377] : memref<25600x128xf32, #tpu.memory_space<hbm>> -> memref<800x16xf32, #tpu.memory_space<hbm>>
    %dma_wait3A_379 = arith.constant 80 : i32
    %dma_wait3A_380 = tpu.memref_slice %arg4[%mul3A_4, %dma_wait3A_379] : memref<25600x128xf32, #tpu.memory_space<hbm>> -> memref<800x16xf32, #tpu.memory_space<hbm>>
    %dma_wait3A_381 = arith.constant 0 : i32
    %dma_wait3A_382 = arith.constant 0 : i32
    %dma_wait3A_383 = tpu.memref_slice %arg7[%dma_wait3A_372, %dma_wait3A_381, %dma_wait3A_382] : memref<8x800x16xf32, #tpu.memory_space<vmem>> -> memref<1x800x16xf32, #tpu.memory_space<vmem>>
    %dma_wait3A_384 = tpu.memref_squeeze %dma_wait3A_383 : memref<1x800x16xf32, #tpu.memory_space<vmem>> -> memref<800x16xf32, #tpu.memory_space<vmem>>
    tpu.wait_dma2 semaphore(%arg9 : memref<!tpu.dma_semaphore, #tpu.memory_space<semaphore_mem>>) src(%dma_wait3A_384 : memref<800x16xf32, #tpu.memory_space<vmem>>) dst(%dma_wait3A_380 : memref<800x16xf32, #tpu.memory_space<hbm>>)
    %dma_wait3A_385 = arith.constant 6 : i32
    %dma_wait3A_386 = arith.constant 0 : i32
    %dma_wait3A_387 = arith.constant 0 : i32
    %dma_wait3A_388 = tpu.memref_slice %arg7[%dma_wait3A_385, %dma_wait3A_386, %dma_wait3A_387] : memref<8x800x16xf32, #tpu.memory_space<vmem>> -> memref<1x800x16xf32, #tpu.memory_space<vmem>>
    %dma_wait3A_389 = tpu.memref_squeeze %dma_wait3A_388 : memref<1x800x16xf32, #tpu.memory_space<vmem>> -> memref<800x16xf32, #tpu.memory_space<vmem>>
    %dma_wait3A_390 = arith.constant 96 : i32
    %dma_wait3A_391 = tpu.memref_slice %arg4[%mul3A_4, %dma_wait3A_390] : memref<25600x128xf32, #tpu.memory_space<hbm>> -> memref<800x16xf32, #tpu.memory_space<hbm>>
    %dma_wait3A_392 = arith.constant 96 : i32
    %dma_wait3A_393 = tpu.memref_slice %arg4[%mul3A_4, %dma_wait3A_392] : memref<25600x128xf32, #tpu.memory_space<hbm>> -> memref<800x16xf32, #tpu.memory_space<hbm>>
    %dma_wait3A_394 = arith.constant 0 : i32
    %dma_wait3A_395 = arith.constant 0 : i32
    %dma_wait3A_396 = tpu.memref_slice %arg7[%dma_wait3A_385, %dma_wait3A_394, %dma_wait3A_395] : memref<8x800x16xf32, #tpu.memory_space<vmem>> -> memref<1x800x16xf32, #tpu.memory_space<vmem>>
    %dma_wait3A_397 = tpu.memref_squeeze %dma_wait3A_396 : memref<1x800x16xf32, #tpu.memory_space<vmem>> -> memref<800x16xf32, #tpu.memory_space<vmem>>
    tpu.wait_dma2 semaphore(%arg9 : memref<!tpu.dma_semaphore, #tpu.memory_space<semaphore_mem>>) src(%dma_wait3A_397 : memref<800x16xf32, #tpu.memory_space<vmem>>) dst(%dma_wait3A_393 : memref<800x16xf32, #tpu.memory_space<hbm>>)
    %dma_wait3A_398 = arith.constant 7 : i32
    %dma_wait3A_399 = arith.constant 0 : i32
    %dma_wait3A_400 = arith.constant 0 : i32
    %dma_wait3A_401 = tpu.memref_slice %arg7[%dma_wait3A_398, %dma_wait3A_399, %dma_wait3A_400] : memref<8x800x16xf32, #tpu.memory_space<vmem>> -> memref<1x800x16xf32, #tpu.memory_space<vmem>>
    %dma_wait3A_402 = tpu.memref_squeeze %dma_wait3A_401 : memref<1x800x16xf32, #tpu.memory_space<vmem>> -> memref<800x16xf32, #tpu.memory_space<vmem>>
    %dma_wait3A_403 = arith.constant 112 : i32
    %dma_wait3A_404 = tpu.memref_slice %arg4[%mul3A_4, %dma_wait3A_403] : memref<25600x128xf32, #tpu.memory_space<hbm>> -> memref<800x16xf32, #tpu.memory_space<hbm>>
    %dma_wait3A_405 = arith.constant 112 : i32
    %dma_wait3A_406 = tpu.memref_slice %arg4[%mul3A_4, %dma_wait3A_405] : memref<25600x128xf32, #tpu.memory_space<hbm>> -> memref<800x16xf32, #tpu.memory_space<hbm>>
    %dma_wait3A_407 = arith.constant 0 : i32
    %dma_wait3A_408 = arith.constant 0 : i32
    %dma_wait3A_409 = tpu.memref_slice %arg7[%dma_wait3A_398, %dma_wait3A_407, %dma_wait3A_408] : memref<8x800x16xf32, #tpu.memory_space<vmem>> -> memref<1x800x16xf32, #tpu.memory_space<vmem>>
    %dma_wait3A_410 = tpu.memref_squeeze %dma_wait3A_409 : memref<1x800x16xf32, #tpu.memory_space<vmem>> -> memref<800x16xf32, #tpu.memory_space<vmem>>
    tpu.wait_dma2 semaphore(%arg9 : memref<!tpu.dma_semaphore, #tpu.memory_space<semaphore_mem>>) src(%dma_wait3A_410 : memref<800x16xf32, #tpu.memory_space<vmem>>) dst(%dma_wait3A_406 : memref<800x16xf32, #tpu.memory_space<hbm>>)
    return
  }
}

#map = affine_map<(d0, d1) -> (0)>
#map1 = affine_map<(d0, d1) -> (0, 0)>
module attributes {stable_mosaic.version = 14 : i64} {
  func.func @k(%arg0: i32, %arg1: i32, %arg2: memref<409600xi32, #tpu.memory_space<hbm>>, %arg3: memref<100001x16xf32, #tpu.memory_space<hbm>>, %arg4: memref<25600x128xf32, #tpu.memory_space<hbm>>, %arg5: memref<6400xi32, #tpu.memory_space<vmem>>, %arg6: memref<8x800xi32, #tpu.memory_space<vmem>>, %arg7: memref<8x800x16xf32, #tpu.memory_space<vmem>>, %arg8: memref<!tpu.dma_semaphore, #tpu.memory_space<semaphore_mem>>, %arg9: memref<!tpu.dma_semaphore, #tpu.memory_space<semaphore_mem>>) attributes {dimension_semantics = [#tpu.dimension_semantics<core_parallel>, #tpu.dimension_semantics<subcore_parallel>], iteration_bounds = array<i64: 2, 16>, scalar_prefetch = 0 : i64, scratch_operands = 5 : i64, tpu.core_type = #tpu.core_type<sc_vector_subcore>, window_params = [{transform_indices = #map}, {transform_indices = #map1}, {transform_indices = #map1}]} {
    %mul3A = arith.constant 2 : i32
    %mul3A_0 = arith.muli %arg1, %mul3A : i32
    %add3A = arith.addi %mul3A_0, %arg0 : i32
    %mul3A_1 = arith.constant 6400 : i32
    %mul3A_2 = arith.muli %add3A, %mul3A_1 : i32
    %mul3A_3 = arith.constant 800 : i32
    %mul3A_4 = arith.muli %add3A, %mul3A_3 : i32
    %iota3A = tpu.iota {dimensions = array<i32: 0>} : vector<16xi32>
    %add3A_5 = arith.constant 0 : i32
    %add3A_6 = arith.addi %add3A_5, %mul3A_2 : i32
    "tpu.region"() ({
      %run_scoped3A = tpu.sem_alloc : memref<!tpu.dma_semaphore, #tpu.memory_space<semaphore_mem>>
      %dma_start3A_411 = tpu.memref_slice %arg2[%add3A_6] : memref<409600xi32, #tpu.memory_space<hbm>> -> memref<6400xi32, #tpu.memory_space<hbm>>
      %dma_start3A_412 = tpu.memref_slice %arg2[%add3A_6] : memref<409600xi32, #tpu.memory_space<hbm>> -> memref<6400xi32, #tpu.memory_space<hbm>>
      tpu.enqueue_dma source(%dma_start3A_412 : memref<6400xi32, #tpu.memory_space<hbm>>) target(%arg5 : memref<6400xi32, #tpu.memory_space<vmem>>) target_semaphore(%run_scoped3A : memref<!tpu.dma_semaphore, #tpu.memory_space<semaphore_mem>>)
      %dma_wait3A_413 = tpu.memref_slice %arg2[%add3A_6] : memref<409600xi32, #tpu.memory_space<hbm>> -> memref<6400xi32, #tpu.memory_space<hbm>>
      %dma_wait3A_414 = tpu.memref_slice %arg2[%add3A_6] : memref<409600xi32, #tpu.memory_space<hbm>> -> memref<6400xi32, #tpu.memory_space<hbm>>
      tpu.wait_dma2 semaphore(%run_scoped3A : memref<!tpu.dma_semaphore, #tpu.memory_space<semaphore_mem>>) src(%dma_wait3A_414 : memref<6400xi32, #tpu.memory_space<hbm>>) dst(%arg5 : memref<6400xi32, #tpu.memory_space<vmem>>)
      tpu.yield
    }) : () -> ()
    %scan3A = arith.constant 0 : i32
    %scan3A_7 = arith.constant 0 : i32
    %scan3A_8 = arith.constant 50 : i32
    %scan3A_9 = arith.addi %scan3A_7, %scan3A_8 : i32
    %scan3A_10 = arith.constant 1 : i32
    %scan3A_11 = scf.for %scan3A_411 = %scan3A_7 to %scan3A_9 step %scan3A_10 iter_args(%scan3A_412 = %scan3A) -> (i32)  : i32 {
      %mul3A_413 = arith.constant 128 : i32
      %mul3A_414 = arith.muli %scan3A_411, %mul3A_413 : i32
      %mul3A_415 = arith.constant 8 : i32
      %mul3A_416 = vector.broadcast %mul3A_415 : i32 to vector<16xi32>
      %mul3A_417 = arith.muli %iota3A, %mul3A_416 : vector<16xi32>
      %add3A_418 = vector.broadcast %mul3A_414 : i32 to vector<16xi32>
      %add3A_419 = arith.addi %add3A_418, %mul3A_417 : vector<16xi32>
      %add3A_420 = arith.constant 0 : i32
      %add3A_421 = vector.broadcast %add3A_420 : i32 to vector<16xi32>
      %add3A_422 = arith.addi %add3A_419, %add3A_421 : vector<16xi32>
      %gather3A = tpu.vector_load_idx %arg5[%add3A_422] : memref<6400xi32, #tpu.memory_space<vmem>>[vector<16xi32>], vector<16xi32>,
      %mul3A_423 = arith.constant 16 : i32
      %mul3A_424 = arith.muli %scan3A_411, %mul3A_423 : i32
      %swap3A = arith.constant 0 : i32
      %swap3A_425 = arith.index_cast %swap3A : i32 to index
      %swap3A_426 = arith.index_cast %mul3A_424 : i32 to index
      %swap3A_427 = tpu.vector_load %arg6[%swap3A_425, %swap3A_426] {strides = array<i32>} : memref<8x800xi32, #tpu.memory_space<vmem>>, vector<16xi32>,
      tpu.vector_store %arg6[%swap3A_425, %swap3A_426], %gather3A {strides = array<i32>} : memref<8x800xi32, #tpu.memory_space<vmem>>, vector<16xi32>,
      %add3A_428 = arith.constant 1 : i32
      %add3A_429 = vector.broadcast %add3A_428 : i32 to vector<16xi32>
      %add3A_430 = arith.addi %add3A_419, %add3A_429 : vector<16xi32>
      %gather3A_431 = tpu.vector_load_idx %arg5[%add3A_430] : memref<6400xi32, #tpu.memory_space<vmem>>[vector<16xi32>], vector<16xi32>,
      %mul3A_432 = arith.constant 16 : i32
      %mul3A_433 = arith.muli %scan3A_411, %mul3A_432 : i32
      %swap3A_434 = arith.constant 1 : i32
      %swap3A_435 = arith.index_cast %swap3A_434 : i32 to index
      %swap3A_436 = arith.index_cast %mul3A_433 : i32 to index
      %swap3A_437 = tpu.vector_load %arg6[%swap3A_435, %swap3A_436] {strides = array<i32>} : memref<8x800xi32, #tpu.memory_space<vmem>>, vector<16xi32>,
      tpu.vector_store %arg6[%swap3A_435, %swap3A_436], %gather3A_431 {strides = array<i32>} : memref<8x800xi32, #tpu.memory_space<vmem>>, vector<16xi32>,
      %add3A_438 = arith.constant 2 : i32
      %add3A_439 = vector.broadcast %add3A_438 : i32 to vector<16xi32>
      %add3A_440 = arith.addi %add3A_419, %add3A_439 : vector<16xi32>
      %gather3A_441 = tpu.vector_load_idx %arg5[%add3A_440] : memref<6400xi32, #tpu.memory_space<vmem>>[vector<16xi32>], vector<16xi32>,
      %mul3A_442 = arith.constant 16 : i32
      %mul3A_443 = arith.muli %scan3A_411, %mul3A_442 : i32
      %swap3A_444 = arith.constant 2 : i32
      %swap3A_445 = arith.index_cast %swap3A_444 : i32 to index
      %swap3A_446 = arith.index_cast %mul3A_443 : i32 to index
      %swap3A_447 = tpu.vector_load %arg6[%swap3A_445, %swap3A_446] {strides = array<i32>} : memref<8x800xi32, #tpu.memory_space<vmem>>, vector<16xi32>,
      tpu.vector_store %arg6[%swap3A_445, %swap3A_446], %gather3A_441 {strides = array<i32>} : memref<8x800xi32, #tpu.memory_space<vmem>>, vector<16xi32>,
      %add3A_448 = arith.constant 3 : i32
      %add3A_449 = vector.broadcast %add3A_448 : i32 to vector<16xi32>
      %add3A_450 = arith.addi %add3A_419, %add3A_449 : vector<16xi32>
      %gather3A_451 = tpu.vector_load_idx %arg5[%add3A_450] : memref<6400xi32, #tpu.memory_space<vmem>>[vector<16xi32>], vector<16xi32>,
      %mul3A_452 = arith.constant 16 : i32
      %mul3A_453 = arith.muli %scan3A_411, %mul3A_452 : i32
      %swap3A_454 = arith.constant 3 : i32
      %swap3A_455 = arith.index_cast %swap3A_454 : i32 to index
      %swap3A_456 = arith.index_cast %mul3A_453 : i32 to index
      %swap3A_457 = tpu.vector_load %arg6[%swap3A_455, %swap3A_456] {strides = array<i32>} : memref<8x800xi32, #tpu.memory_space<vmem>>, vector<16xi32>,
      tpu.vector_store %arg6[%swap3A_455, %swap3A_456], %gather3A_451 {strides = array<i32>} : memref<8x800xi32, #tpu.memory_space<vmem>>, vector<16xi32>,
      %add3A_458 = arith.constant 4 : i32
      %add3A_459 = vector.broadcast %add3A_458 : i32 to vector<16xi32>
      %add3A_460 = arith.addi %add3A_419, %add3A_459 : vector<16xi32>
      %gather3A_461 = tpu.vector_load_idx %arg5[%add3A_460] : memref<6400xi32, #tpu.memory_space<vmem>>[vector<16xi32>], vector<16xi32>,
      %mul3A_462 = arith.constant 16 : i32
      %mul3A_463 = arith.muli %scan3A_411, %mul3A_462 : i32
      %swap3A_464 = arith.constant 4 : i32
      %swap3A_465 = arith.index_cast %swap3A_464 : i32 to index
      %swap3A_466 = arith.index_cast %mul3A_463 : i32 to index
      %swap3A_467 = tpu.vector_load %arg6[%swap3A_465, %swap3A_466] {strides = array<i32>} : memref<8x800xi32, #tpu.memory_space<vmem>>, vector<16xi32>,
      tpu.vector_store %arg6[%swap3A_465, %swap3A_466], %gather3A_461 {strides = array<i32>} : memref<8x800xi32, #tpu.memory_space<vmem>>, vector<16xi32>,
      %add3A_468 = arith.constant 5 : i32
      %add3A_469 = vector.broadcast %add3A_468 : i32 to vector<16xi32>
      %add3A_470 = arith.addi %add3A_419, %add3A_469 : vector<16xi32>
      %gather3A_471 = tpu.vector_load_idx %arg5[%add3A_470] : memref<6400xi32, #tpu.memory_space<vmem>>[vector<16xi32>], vector<16xi32>,
      %mul3A_472 = arith.constant 16 : i32
      %mul3A_473 = arith.muli %scan3A_411, %mul3A_472 : i32
      %swap3A_474 = arith.constant 5 : i32
      %swap3A_475 = arith.index_cast %swap3A_474 : i32 to index
      %swap3A_476 = arith.index_cast %mul3A_473 : i32 to index
      %swap3A_477 = tpu.vector_load %arg6[%swap3A_475, %swap3A_476] {strides = array<i32>} : memref<8x800xi32, #tpu.memory_space<vmem>>, vector<16xi32>,
      tpu.vector_store %arg6[%swap3A_475, %swap3A_476], %gather3A_471 {strides = array<i32>} : memref<8x800xi32, #tpu.memory_space<vmem>>, vector<16xi32>,
      %add3A_478 = arith.constant 6 : i32
      %add3A_479 = vector.broadcast %add3A_478 : i32 to vector<16xi32>
      %add3A_480 = arith.addi %add3A_419, %add3A_479 : vector<16xi32>
      %gather3A_481 = tpu.vector_load_idx %arg5[%add3A_480] : memref<6400xi32, #tpu.memory_space<vmem>>[vector<16xi32>], vector<16xi32>,
      %mul3A_482 = arith.constant 16 : i32
      %mul3A_483 = arith.muli %scan3A_411, %mul3A_482 : i32
      %swap3A_484 = arith.constant 6 : i32
      %swap3A_485 = arith.index_cast %swap3A_484 : i32 to index
      %swap3A_486 = arith.index_cast %mul3A_483 : i32 to index
      %swap3A_487 = tpu.vector_load %arg6[%swap3A_485, %swap3A_486] {strides = array<i32>} : memref<8x800xi32, #tpu.memory_space<vmem>>, vector<16xi32>,
      tpu.vector_store %arg6[%swap3A_485, %swap3A_486], %gather3A_481 {strides = array<i32>} : memref<8x800xi32, #tpu.memory_space<vmem>>, vector<16xi32>,
      %add3A_488 = arith.constant 7 : i32
      %add3A_489 = vector.broadcast %add3A_488 : i32 to vector<16xi32>
      %add3A_490 = arith.addi %add3A_419, %add3A_489 : vector<16xi32>
      %gather3A_491 = tpu.vector_load_idx %arg5[%add3A_490] : memref<6400xi32, #tpu.memory_space<vmem>>[vector<16xi32>], vector<16xi32>,
      %mul3A_492 = arith.constant 16 : i32
      %mul3A_493 = arith.muli %scan3A_411, %mul3A_492 : i32
      %swap3A_494 = arith.constant 7 : i32
      %swap3A_495 = arith.index_cast %swap3A_494 : i32 to index
      %swap3A_496 = arith.index_cast %mul3A_493 : i32 to index
      %swap3A_497 = tpu.vector_load %arg6[%swap3A_495, %swap3A_496] {strides = array<i32>} : memref<8x800xi32, #tpu.memory_space<vmem>>, vector<16xi32>,
      tpu.vector_store %arg6[%swap3A_495, %swap3A_496], %gather3A_491 {strides = array<i32>} : memref<8x800xi32, #tpu.memory_space<vmem>>, vector<16xi32>,
      %scan3A_498 = arith.constant 0 : i32
      scf.yield %scan3A_498 : i32
    }
    %scan3A_12 = arith.constant 50 : i32
    %dma_start3A = arith.constant 0 : i32
    %dma_start3A_13 = arith.constant 0 : i32
    %dma_start3A_14 = arith.constant 0 : i32
    %dma_start3A_15 = arith.constant 0 : i32
    %dma_start3A_16 = tpu.memref_slice %arg7[%dma_start3A_13, %dma_start3A_14, %dma_start3A_15] : memref<8x800x16xf32, #tpu.memory_space<vmem>> -> memref<1x800x16xf32, #tpu.memory_space<vmem>>
    %dma_start3A_17 = tpu.memref_squeeze %dma_start3A_16 : memref<1x800x16xf32, #tpu.memory_space<vmem>> -> memref<800x16xf32, #tpu.memory_space<vmem>>
    %dma_start3A_18 = arith.constant 0 : i32
    %dma_start3A_19 = tpu.memref_slice %arg6[%dma_start3A, %dma_start3A_18] : memref<8x800xi32, #tpu.memory_space<vmem>> -> memref<1x800xi32, #tpu.memory_space<vmem>>
    %dma_start3A_20 = tpu.memref_squeeze %dma_start3A_19 : memref<1x800xi32, #tpu.memory_space<vmem>> -> memref<800xi32, #tpu.memory_space<vmem>>
    %dma_start3A_21 = arith.constant 0 : i32
    %dma_start3A_22 = arith.constant 0 : i32
    %dma_start3A_23 = tpu.memref_slice %arg3[%dma_start3A_21, %dma_start3A_22] : memref<100001x16xf32, #tpu.memory_space<hbm>> -> memref<100001x16xf32, #tpu.memory_space<hbm>>
    tpu.enqueue_indirect_dma source(%dma_start3A_23 : memref<100001x16xf32, #tpu.memory_space<hbm>>) target(%dma_start3A_17 : memref<800x16xf32, #tpu.memory_space<vmem>>) offsets(%dma_start3A_20 : memref<800xi32, #tpu.memory_space<vmem>>) semaphore(%arg8 : memref<!tpu.dma_semaphore, #tpu.memory_space<semaphore_mem>>)
    %dma_start3A_24 = arith.constant 1 : i32
    %dma_start3A_25 = arith.constant 1 : i32
    %dma_start3A_26 = arith.constant 0 : i32
    %dma_start3A_27 = arith.constant 0 : i32
    %dma_start3A_28 = tpu.memref_slice %arg7[%dma_start3A_25, %dma_start3A_26, %dma_start3A_27] : memref<8x800x16xf32, #tpu.memory_space<vmem>> -> memref<1x800x16xf32, #tpu.memory_space<vmem>>
    %dma_start3A_29 = tpu.memref_squeeze %dma_start3A_28 : memref<1x800x16xf32, #tpu.memory_space<vmem>> -> memref<800x16xf32, #tpu.memory_space<vmem>>
    %dma_start3A_30 = arith.constant 0 : i32
    %dma_start3A_31 = tpu.memref_slice %arg6[%dma_start3A_24, %dma_start3A_30] : memref<8x800xi32, #tpu.memory_space<vmem>> -> memref<1x800xi32, #tpu.memory_space<vmem>>
    %dma_start3A_32 = tpu.memref_squeeze %dma_start3A_31 : memref<1x800xi32, #tpu.memory_space<vmem>> -> memref<800xi32, #tpu.memory_space<vmem>>
    %dma_start3A_33 = arith.constant 0 : i32
    %dma_start3A_34 = arith.constant 0 : i32
    %dma_start3A_35 = tpu.memref_slice %arg3[%dma_start3A_33, %dma_start3A_34] : memref<100001x16xf32, #tpu.memory_space<hbm>> -> memref<100001x16xf32, #tpu.memory_space<hbm>>
    tpu.enqueue_indirect_dma source(%dma_start3A_35 : memref<100001x16xf32, #tpu.memory_space<hbm>>) target(%dma_start3A_29 : memref<800x16xf32, #tpu.memory_space<vmem>>) offsets(%dma_start3A_32 : memref<800xi32, #tpu.memory_space<vmem>>) semaphore(%arg8 : memref<!tpu.dma_semaphore, #tpu.memory_space<semaphore_mem>>)
    %dma_start3A_36 = arith.constant 2 : i32
    %dma_start3A_37 = arith.constant 2 : i32
    %dma_start3A_38 = arith.constant 0 : i32
    %dma_start3A_39 = arith.constant 0 : i32
    %dma_start3A_40 = tpu.memref_slice %arg7[%dma_start3A_37, %dma_start3A_38, %dma_start3A_39] : memref<8x800x16xf32, #tpu.memory_space<vmem>> -> memref<1x800x16xf32, #tpu.memory_space<vmem>>
    %dma_start3A_41 = tpu.memref_squeeze %dma_start3A_40 : memref<1x800x16xf32, #tpu.memory_space<vmem>> -> memref<800x16xf32, #tpu.memory_space<vmem>>
    %dma_start3A_42 = arith.constant 0 : i32
    %dma_start3A_43 = tpu.memref_slice %arg6[%dma_start3A_36, %dma_start3A_42] : memref<8x800xi32, #tpu.memory_space<vmem>> -> memref<1x800xi32, #tpu.memory_space<vmem>>
    %dma_start3A_44 = tpu.memref_squeeze %dma_start3A_43 : memref<1x800xi32, #tpu.memory_space<vmem>> -> memref<800xi32, #tpu.memory_space<vmem>>
    %dma_start3A_45 = arith.constant 0 : i32
    %dma_start3A_46 = arith.constant 0 : i32
    %dma_start3A_47 = tpu.memref_slice %arg3[%dma_start3A_45, %dma_start3A_46] : memref<100001x16xf32, #tpu.memory_space<hbm>> -> memref<100001x16xf32, #tpu.memory_space<hbm>>
    tpu.enqueue_indirect_dma source(%dma_start3A_47 : memref<100001x16xf32, #tpu.memory_space<hbm>>) target(%dma_start3A_41 : memref<800x16xf32, #tpu.memory_space<vmem>>) offsets(%dma_start3A_44 : memref<800xi32, #tpu.memory_space<vmem>>) semaphore(%arg8 : memref<!tpu.dma_semaphore, #tpu.memory_space<semaphore_mem>>)
    %dma_start3A_48 = arith.constant 3 : i32
    %dma_start3A_49 = arith.constant 3 : i32
    %dma_start3A_50 = arith.constant 0 : i32
    %dma_start3A_51 = arith.constant 0 : i32
    %dma_start3A_52 = tpu.memref_slice %arg7[%dma_start3A_49, %dma_start3A_50, %dma_start3A_51] : memref<8x800x16xf32, #tpu.memory_space<vmem>> -> memref<1x800x16xf32, #tpu.memory_space<vmem>>
    %dma_start3A_53 = tpu.memref_squeeze %dma_start3A_52 : memref<1x800x16xf32, #tpu.memory_space<vmem>> -> memref<800x16xf32, #tpu.memory_space<vmem>>
    %dma_start3A_54 = arith.constant 0 : i32
    %dma_start3A_55 = tpu.memref_slice %arg6[%dma_start3A_48, %dma_start3A_54] : memref<8x800xi32, #tpu.memory_space<vmem>> -> memref<1x800xi32, #tpu.memory_space<vmem>>
    %dma_start3A_56 = tpu.memref_squeeze %dma_start3A_55 : memref<1x800xi32, #tpu.memory_space<vmem>> -> memref<800xi32, #tpu.memory_space<vmem>>
    %dma_start3A_57 = arith.constant 0 : i32
    %dma_start3A_58 = arith.constant 0 : i32
    %dma_start3A_59 = tpu.memref_slice %arg3[%dma_start3A_57, %dma_start3A_58] : memref<100001x16xf32, #tpu.memory_space<hbm>> -> memref<100001x16xf32, #tpu.memory_space<hbm>>
    tpu.enqueue_indirect_dma source(%dma_start3A_59 : memref<100001x16xf32, #tpu.memory_space<hbm>>) target(%dma_start3A_53 : memref<800x16xf32, #tpu.memory_space<vmem>>) offsets(%dma_start3A_56 : memref<800xi32, #tpu.memory_space<vmem>>) semaphore(%arg8 : memref<!tpu.dma_semaphore, #tpu.memory_space<semaphore_mem>>)
    %dma_start3A_60 = arith.constant 4 : i32
    %dma_start3A_61 = arith.constant 4 : i32
    %dma_start3A_62 = arith.constant 0 : i32
    %dma_start3A_63 = arith.constant 0 : i32
    %dma_start3A_64 = tpu.memref_slice %arg7[%dma_start3A_61, %dma_start3A_62, %dma_start3A_63] : memref<8x800x16xf32, #tpu.memory_space<vmem>> -> memref<1x800x16xf32, #tpu.memory_space<vmem>>
    %dma_start3A_65 = tpu.memref_squeeze %dma_start3A_64 : memref<1x800x16xf32, #tpu.memory_space<vmem>> -> memref<800x16xf32, #tpu.memory_space<vmem>>
    %dma_start3A_66 = arith.constant 0 : i32
    %dma_start3A_67 = tpu.memref_slice %arg6[%dma_start3A_60, %dma_start3A_66] : memref<8x800xi32, #tpu.memory_space<vmem>> -> memref<1x800xi32, #tpu.memory_space<vmem>>
    %dma_start3A_68 = tpu.memref_squeeze %dma_start3A_67 : memref<1x800xi32, #tpu.memory_space<vmem>> -> memref<800xi32, #tpu.memory_space<vmem>>
    %dma_start3A_69 = arith.constant 0 : i32
    %dma_start3A_70 = arith.constant 0 : i32
    %dma_start3A_71 = tpu.memref_slice %arg3[%dma_start3A_69, %dma_start3A_70] : memref<100001x16xf32, #tpu.memory_space<hbm>> -> memref<100001x16xf32, #tpu.memory_space<hbm>>
    tpu.enqueue_indirect_dma source(%dma_start3A_71 : memref<100001x16xf32, #tpu.memory_space<hbm>>) target(%dma_start3A_65 : memref<800x16xf32, #tpu.memory_space<vmem>>) offsets(%dma_start3A_68 : memref<800xi32, #tpu.memory_space<vmem>>) semaphore(%arg8 : memref<!tpu.dma_semaphore, #tpu.memory_space<semaphore_mem>>)
    %dma_start3A_72 = arith.constant 5 : i32
    %dma_start3A_73 = arith.constant 5 : i32
    %dma_start3A_74 = arith.constant 0 : i32
    %dma_start3A_75 = arith.constant 0 : i32
    %dma_start3A_76 = tpu.memref_slice %arg7[%dma_start3A_73, %dma_start3A_74, %dma_start3A_75] : memref<8x800x16xf32, #tpu.memory_space<vmem>> -> memref<1x800x16xf32, #tpu.memory_space<vmem>>
    %dma_start3A_77 = tpu.memref_squeeze %dma_start3A_76 : memref<1x800x16xf32, #tpu.memory_space<vmem>> -> memref<800x16xf32, #tpu.memory_space<vmem>>
    %dma_start3A_78 = arith.constant 0 : i32
    %dma_start3A_79 = tpu.memref_slice %arg6[%dma_start3A_72, %dma_start3A_78] : memref<8x800xi32, #tpu.memory_space<vmem>> -> memref<1x800xi32, #tpu.memory_space<vmem>>
    %dma_start3A_80 = tpu.memref_squeeze %dma_start3A_79 : memref<1x800xi32, #tpu.memory_space<vmem>> -> memref<800xi32, #tpu.memory_space<vmem>>
    %dma_start3A_81 = arith.constant 0 : i32
    %dma_start3A_82 = arith.constant 0 : i32
    %dma_start3A_83 = tpu.memref_slice %arg3[%dma_start3A_81, %dma_start3A_82] : memref<100001x16xf32, #tpu.memory_space<hbm>> -> memref<100001x16xf32, #tpu.memory_space<hbm>>
    tpu.enqueue_indirect_dma source(%dma_start3A_83 : memref<100001x16xf32, #tpu.memory_space<hbm>>) target(%dma_start3A_77 : memref<800x16xf32, #tpu.memory_space<vmem>>) offsets(%dma_start3A_80 : memref<800xi32, #tpu.memory_space<vmem>>) semaphore(%arg8 : memref<!tpu.dma_semaphore, #tpu.memory_space<semaphore_mem>>)
    %dma_start3A_84 = arith.constant 6 : i32
    %dma_start3A_85 = arith.constant 6 : i32
    %dma_start3A_86 = arith.constant 0 : i32
    %dma_start3A_87 = arith.constant 0 : i32
    %dma_start3A_88 = tpu.memref_slice %arg7[%dma_start3A_85, %dma_start3A_86, %dma_start3A_87] : memref<8x800x16xf32, #tpu.memory_space<vmem>> -> memref<1x800x16xf32, #tpu.memory_space<vmem>>
    %dma_start3A_89 = tpu.memref_squeeze %dma_start3A_88 : memref<1x800x16xf32, #tpu.memory_space<vmem>> -> memref<800x16xf32, #tpu.memory_space<vmem>>
    %dma_start3A_90 = arith.constant 0 : i32
    %dma_start3A_91 = tpu.memref_slice %arg6[%dma_start3A_84, %dma_start3A_90] : memref<8x800xi32, #tpu.memory_space<vmem>> -> memref<1x800xi32, #tpu.memory_space<vmem>>
    %dma_start3A_92 = tpu.memref_squeeze %dma_start3A_91 : memref<1x800xi32, #tpu.memory_space<vmem>> -> memref<800xi32, #tpu.memory_space<vmem>>
    %dma_start3A_93 = arith.constant 0 : i32
    %dma_start3A_94 = arith.constant 0 : i32
    %dma_start3A_95 = tpu.memref_slice %arg3[%dma_start3A_93, %dma_start3A_94] : memref<100001x16xf32, #tpu.memory_space<hbm>> -> memref<100001x16xf32, #tpu.memory_space<hbm>>
    tpu.enqueue_indirect_dma source(%dma_start3A_95 : memref<100001x16xf32, #tpu.memory_space<hbm>>) target(%dma_start3A_89 : memref<800x16xf32, #tpu.memory_space<vmem>>) offsets(%dma_start3A_92 : memref<800xi32, #tpu.memory_space<vmem>>) semaphore(%arg8 : memref<!tpu.dma_semaphore, #tpu.memory_space<semaphore_mem>>)
    %dma_start3A_96 = arith.constant 7 : i32
    %dma_start3A_97 = arith.constant 7 : i32
    %dma_start3A_98 = arith.constant 0 : i32
    %dma_start3A_99 = arith.constant 0 : i32
    %dma_start3A_100 = tpu.memref_slice %arg7[%dma_start3A_97, %dma_start3A_98, %dma_start3A_99] : memref<8x800x16xf32, #tpu.memory_space<vmem>> -> memref<1x800x16xf32, #tpu.memory_space<vmem>>
    %dma_start3A_101 = tpu.memref_squeeze %dma_start3A_100 : memref<1x800x16xf32, #tpu.memory_space<vmem>> -> memref<800x16xf32, #tpu.memory_space<vmem>>
    %dma_start3A_102 = arith.constant 0 : i32
    %dma_start3A_103 = tpu.memref_slice %arg6[%dma_start3A_96, %dma_start3A_102] : memref<8x800xi32, #tpu.memory_space<vmem>> -> memref<1x800xi32, #tpu.memory_space<vmem>>
    %dma_start3A_104 = tpu.memref_squeeze %dma_start3A_103 : memref<1x800xi32, #tpu.memory_space<vmem>> -> memref<800xi32, #tpu.memory_space<vmem>>
    %dma_start3A_105 = arith.constant 0 : i32
    %dma_start3A_106 = arith.constant 0 : i32
    %dma_start3A_107 = tpu.memref_slice %arg3[%dma_start3A_105, %dma_start3A_106] : memref<100001x16xf32, #tpu.memory_space<hbm>> -> memref<100001x16xf32, #tpu.memory_space<hbm>>
    tpu.enqueue_indirect_dma source(%dma_start3A_107 : memref<100001x16xf32, #tpu.memory_space<hbm>>) target(%dma_start3A_101 : memref<800x16xf32, #tpu.memory_space<vmem>>) offsets(%dma_start3A_104 : memref<800xi32, #tpu.memory_space<vmem>>) semaphore(%arg8 : memref<!tpu.dma_semaphore, #tpu.memory_space<semaphore_mem>>)
    %dma_wait3A = arith.constant 0 : i32
    %dma_wait3A_108 = arith.constant 0 : i32
    %dma_wait3A_109 = arith.constant 0 : i32
    %dma_wait3A_110 = arith.constant 0 : i32
    %dma_wait3A_111 = tpu.memref_slice %arg7[%dma_wait3A_108, %dma_wait3A_109, %dma_wait3A_110] : memref<8x800x16xf32, #tpu.memory_space<vmem>> -> memref<1x800x16xf32, #tpu.memory_space<vmem>>
    %dma_wait3A_112 = tpu.memref_squeeze %dma_wait3A_111 : memref<1x800x16xf32, #tpu.memory_space<vmem>> -> memref<800x16xf32, #tpu.memory_space<vmem>>
    %dma_wait3A_113 = arith.constant 0 : i32
    %dma_wait3A_114 = tpu.memref_slice %arg6[%dma_wait3A, %dma_wait3A_113] : memref<8x800xi32, #tpu.memory_space<vmem>> -> memref<1x800xi32, #tpu.memory_space<vmem>>
    %dma_wait3A_115 = tpu.memref_squeeze %dma_wait3A_114 : memref<1x800xi32, #tpu.memory_space<vmem>> -> memref<800xi32, #tpu.memory_space<vmem>>
    %dma_wait3A_116 = arith.constant 0 : i32
    %dma_wait3A_117 = arith.constant 0 : i32
    %dma_wait3A_118 = tpu.memref_slice %arg3[%dma_wait3A_116, %dma_wait3A_117] : memref<100001x16xf32, #tpu.memory_space<hbm>> -> memref<100001x16xf32, #tpu.memory_space<hbm>>
    tpu.wait_indirect_dma semaphore(%arg8 : memref<!tpu.dma_semaphore, #tpu.memory_space<semaphore_mem>>) src(%dma_wait3A_118 : memref<100001x16xf32, #tpu.memory_space<hbm>>) dst(%dma_wait3A_112 : memref<800x16xf32, #tpu.memory_space<vmem>>)
    %dma_wait3A_119 = arith.constant 1 : i32
    %dma_wait3A_120 = arith.constant 1 : i32
    %dma_wait3A_121 = arith.constant 0 : i32
    %dma_wait3A_122 = arith.constant 0 : i32
    %dma_wait3A_123 = tpu.memref_slice %arg7[%dma_wait3A_120, %dma_wait3A_121, %dma_wait3A_122] : memref<8x800x16xf32, #tpu.memory_space<vmem>> -> memref<1x800x16xf32, #tpu.memory_space<vmem>>
    %dma_wait3A_124 = tpu.memref_squeeze %dma_wait3A_123 : memref<1x800x16xf32, #tpu.memory_space<vmem>> -> memref<800x16xf32, #tpu.memory_space<vmem>>
    %dma_wait3A_125 = arith.constant 0 : i32
    %dma_wait3A_126 = tpu.memref_slice %arg6[%dma_wait3A_119, %dma_wait3A_125] : memref<8x800xi32, #tpu.memory_space<vmem>> -> memref<1x800xi32, #tpu.memory_space<vmem>>
    %dma_wait3A_127 = tpu.memref_squeeze %dma_wait3A_126 : memref<1x800xi32, #tpu.memory_space<vmem>> -> memref<800xi32, #tpu.memory_space<vmem>>
    %dma_wait3A_128 = arith.constant 0 : i32
    %dma_wait3A_129 = arith.constant 0 : i32
    %dma_wait3A_130 = tpu.memref_slice %arg3[%dma_wait3A_128, %dma_wait3A_129] : memref<100001x16xf32, #tpu.memory_space<hbm>> -> memref<100001x16xf32, #tpu.memory_space<hbm>>
    tpu.wait_indirect_dma semaphore(%arg8 : memref<!tpu.dma_semaphore, #tpu.memory_space<semaphore_mem>>) src(%dma_wait3A_130 : memref<100001x16xf32, #tpu.memory_space<hbm>>) dst(%dma_wait3A_124 : memref<800x16xf32, #tpu.memory_space<vmem>>)
    %dma_wait3A_131 = arith.constant 2 : i32
    %dma_wait3A_132 = arith.constant 2 : i32
    %dma_wait3A_133 = arith.constant 0 : i32
    %dma_wait3A_134 = arith.constant 0 : i32
    %dma_wait3A_135 = tpu.memref_slice %arg7[%dma_wait3A_132, %dma_wait3A_133, %dma_wait3A_134] : memref<8x800x16xf32, #tpu.memory_space<vmem>> -> memref<1x800x16xf32, #tpu.memory_space<vmem>>
    %dma_wait3A_136 = tpu.memref_squeeze %dma_wait3A_135 : memref<1x800x16xf32, #tpu.memory_space<vmem>> -> memref<800x16xf32, #tpu.memory_space<vmem>>
    %dma_wait3A_137 = arith.constant 0 : i32
    %dma_wait3A_138 = tpu.memref_slice %arg6[%dma_wait3A_131, %dma_wait3A_137] : memref<8x800xi32, #tpu.memory_space<vmem>> -> memref<1x800xi32, #tpu.memory_space<vmem>>
    %dma_wait3A_139 = tpu.memref_squeeze %dma_wait3A_138 : memref<1x800xi32, #tpu.memory_space<vmem>> -> memref<800xi32, #tpu.memory_space<vmem>>
    %dma_wait3A_140 = arith.constant 0 : i32
    %dma_wait3A_141 = arith.constant 0 : i32
    %dma_wait3A_142 = tpu.memref_slice %arg3[%dma_wait3A_140, %dma_wait3A_141] : memref<100001x16xf32, #tpu.memory_space<hbm>> -> memref<100001x16xf32, #tpu.memory_space<hbm>>
    tpu.wait_indirect_dma semaphore(%arg8 : memref<!tpu.dma_semaphore, #tpu.memory_space<semaphore_mem>>) src(%dma_wait3A_142 : memref<100001x16xf32, #tpu.memory_space<hbm>>) dst(%dma_wait3A_136 : memref<800x16xf32, #tpu.memory_space<vmem>>)
    %dma_wait3A_143 = arith.constant 3 : i32
    %dma_wait3A_144 = arith.constant 3 : i32
    %dma_wait3A_145 = arith.constant 0 : i32
    %dma_wait3A_146 = arith.constant 0 : i32
    %dma_wait3A_147 = tpu.memref_slice %arg7[%dma_wait3A_144, %dma_wait3A_145, %dma_wait3A_146] : memref<8x800x16xf32, #tpu.memory_space<vmem>> -> memref<1x800x16xf32, #tpu.memory_space<vmem>>
    %dma_wait3A_148 = tpu.memref_squeeze %dma_wait3A_147 : memref<1x800x16xf32, #tpu.memory_space<vmem>> -> memref<800x16xf32, #tpu.memory_space<vmem>>
    %dma_wait3A_149 = arith.constant 0 : i32
    %dma_wait3A_150 = tpu.memref_slice %arg6[%dma_wait3A_143, %dma_wait3A_149] : memref<8x800xi32, #tpu.memory_space<vmem>> -> memref<1x800xi32, #tpu.memory_space<vmem>>
    %dma_wait3A_151 = tpu.memref_squeeze %dma_wait3A_150 : memref<1x800xi32, #tpu.memory_space<vmem>> -> memref<800xi32, #tpu.memory_space<vmem>>
    %dma_wait3A_152 = arith.constant 0 : i32
    %dma_wait3A_153 = arith.constant 0 : i32
    %dma_wait3A_154 = tpu.memref_slice %arg3[%dma_wait3A_152, %dma_wait3A_153] : memref<100001x16xf32, #tpu.memory_space<hbm>> -> memref<100001x16xf32, #tpu.memory_space<hbm>>
    tpu.wait_indirect_dma semaphore(%arg8 : memref<!tpu.dma_semaphore, #tpu.memory_space<semaphore_mem>>) src(%dma_wait3A_154 : memref<100001x16xf32, #tpu.memory_space<hbm>>) dst(%dma_wait3A_148 : memref<800x16xf32, #tpu.memory_space<vmem>>)
    %dma_wait3A_155 = arith.constant 4 : i32
    %dma_wait3A_156 = arith.constant 4 : i32
    %dma_wait3A_157 = arith.constant 0 : i32
    %dma_wait3A_158 = arith.constant 0 : i32
    %dma_wait3A_159 = tpu.memref_slice %arg7[%dma_wait3A_156, %dma_wait3A_157, %dma_wait3A_158] : memref<8x800x16xf32, #tpu.memory_space<vmem>> -> memref<1x800x16xf32, #tpu.memory_space<vmem>>
    %dma_wait3A_160 = tpu.memref_squeeze %dma_wait3A_159 : memref<1x800x16xf32, #tpu.memory_space<vmem>> -> memref<800x16xf32, #tpu.memory_space<vmem>>
    %dma_wait3A_161 = arith.constant 0 : i32
    %dma_wait3A_162 = tpu.memref_slice %arg6[%dma_wait3A_155, %dma_wait3A_161] : memref<8x800xi32, #tpu.memory_space<vmem>> -> memref<1x800xi32, #tpu.memory_space<vmem>>
    %dma_wait3A_163 = tpu.memref_squeeze %dma_wait3A_162 : memref<1x800xi32, #tpu.memory_space<vmem>> -> memref<800xi32, #tpu.memory_space<vmem>>
    %dma_wait3A_164 = arith.constant 0 : i32
    %dma_wait3A_165 = arith.constant 0 : i32
    %dma_wait3A_166 = tpu.memref_slice %arg3[%dma_wait3A_164, %dma_wait3A_165] : memref<100001x16xf32, #tpu.memory_space<hbm>> -> memref<100001x16xf32, #tpu.memory_space<hbm>>
    tpu.wait_indirect_dma semaphore(%arg8 : memref<!tpu.dma_semaphore, #tpu.memory_space<semaphore_mem>>) src(%dma_wait3A_166 : memref<100001x16xf32, #tpu.memory_space<hbm>>) dst(%dma_wait3A_160 : memref<800x16xf32, #tpu.memory_space<vmem>>)
    %dma_wait3A_167 = arith.constant 5 : i32
    %dma_wait3A_168 = arith.constant 5 : i32
    %dma_wait3A_169 = arith.constant 0 : i32
    %dma_wait3A_170 = arith.constant 0 : i32
    %dma_wait3A_171 = tpu.memref_slice %arg7[%dma_wait3A_168, %dma_wait3A_169, %dma_wait3A_170] : memref<8x800x16xf32, #tpu.memory_space<vmem>> -> memref<1x800x16xf32, #tpu.memory_space<vmem>>
    %dma_wait3A_172 = tpu.memref_squeeze %dma_wait3A_171 : memref<1x800x16xf32, #tpu.memory_space<vmem>> -> memref<800x16xf32, #tpu.memory_space<vmem>>
    %dma_wait3A_173 = arith.constant 0 : i32
    %dma_wait3A_174 = tpu.memref_slice %arg6[%dma_wait3A_167, %dma_wait3A_173] : memref<8x800xi32, #tpu.memory_space<vmem>> -> memref<1x800xi32, #tpu.memory_space<vmem>>
    %dma_wait3A_175 = tpu.memref_squeeze %dma_wait3A_174 : memref<1x800xi32, #tpu.memory_space<vmem>> -> memref<800xi32, #tpu.memory_space<vmem>>
    %dma_wait3A_176 = arith.constant 0 : i32
    %dma_wait3A_177 = arith.constant 0 : i32
    %dma_wait3A_178 = tpu.memref_slice %arg3[%dma_wait3A_176, %dma_wait3A_177] : memref<100001x16xf32, #tpu.memory_space<hbm>> -> memref<100001x16xf32, #tpu.memory_space<hbm>>
    tpu.wait_indirect_dma semaphore(%arg8 : memref<!tpu.dma_semaphore, #tpu.memory_space<semaphore_mem>>) src(%dma_wait3A_178 : memref<100001x16xf32, #tpu.memory_space<hbm>>) dst(%dma_wait3A_172 : memref<800x16xf32, #tpu.memory_space<vmem>>)
    %dma_wait3A_179 = arith.constant 6 : i32
    %dma_wait3A_180 = arith.constant 6 : i32
    %dma_wait3A_181 = arith.constant 0 : i32
    %dma_wait3A_182 = arith.constant 0 : i32
    %dma_wait3A_183 = tpu.memref_slice %arg7[%dma_wait3A_180, %dma_wait3A_181, %dma_wait3A_182] : memref<8x800x16xf32, #tpu.memory_space<vmem>> -> memref<1x800x16xf32, #tpu.memory_space<vmem>>
    %dma_wait3A_184 = tpu.memref_squeeze %dma_wait3A_183 : memref<1x800x16xf32, #tpu.memory_space<vmem>> -> memref<800x16xf32, #tpu.memory_space<vmem>>
    %dma_wait3A_185 = arith.constant 0 : i32
    %dma_wait3A_186 = tpu.memref_slice %arg6[%dma_wait3A_179, %dma_wait3A_185] : memref<8x800xi32, #tpu.memory_space<vmem>> -> memref<1x800xi32, #tpu.memory_space<vmem>>
    %dma_wait3A_187 = tpu.memref_squeeze %dma_wait3A_186 : memref<1x800xi32, #tpu.memory_space<vmem>> -> memref<800xi32, #tpu.memory_space<vmem>>
    %dma_wait3A_188 = arith.constant 0 : i32
    %dma_wait3A_189 = arith.constant 0 : i32
    %dma_wait3A_190 = tpu.memref_slice %arg3[%dma_wait3A_188, %dma_wait3A_189] : memref<100001x16xf32, #tpu.memory_space<hbm>> -> memref<100001x16xf32, #tpu.memory_space<hbm>>
    tpu.wait_indirect_dma semaphore(%arg8 : memref<!tpu.dma_semaphore, #tpu.memory_space<semaphore_mem>>) src(%dma_wait3A_190 : memref<100001x16xf32, #tpu.memory_space<hbm>>) dst(%dma_wait3A_184 : memref<800x16xf32, #tpu.memory_space<vmem>>)
    %dma_wait3A_191 = arith.constant 7 : i32
    %dma_wait3A_192 = arith.constant 7 : i32
    %dma_wait3A_193 = arith.constant 0 : i32
    %dma_wait3A_194 = arith.constant 0 : i32
    %dma_wait3A_195 = tpu.memref_slice %arg7[%dma_wait3A_192, %dma_wait3A_193, %dma_wait3A_194] : memref<8x800x16xf32, #tpu.memory_space<vmem>> -> memref<1x800x16xf32, #tpu.memory_space<vmem>>
    %dma_wait3A_196 = tpu.memref_squeeze %dma_wait3A_195 : memref<1x800x16xf32, #tpu.memory_space<vmem>> -> memref<800x16xf32, #tpu.memory_space<vmem>>
    %dma_wait3A_197 = arith.constant 0 : i32
    %dma_wait3A_198 = tpu.memref_slice %arg6[%dma_wait3A_191, %dma_wait3A_197] : memref<8x800xi32, #tpu.memory_space<vmem>> -> memref<1x800xi32, #tpu.memory_space<vmem>>
    %dma_wait3A_199 = tpu.memref_squeeze %dma_wait3A_198 : memref<1x800xi32, #tpu.memory_space<vmem>> -> memref<800xi32, #tpu.memory_space<vmem>>
    %dma_wait3A_200 = arith.constant 0 : i32
    %dma_wait3A_201 = arith.constant 0 : i32
    %dma_wait3A_202 = tpu.memref_slice %arg3[%dma_wait3A_200, %dma_wait3A_201] : memref<100001x16xf32, #tpu.memory_space<hbm>> -> memref<100001x16xf32, #tpu.memory_space<hbm>>
    tpu.wait_indirect_dma semaphore(%arg8 : memref<!tpu.dma_semaphore, #tpu.memory_space<semaphore_mem>>) src(%dma_wait3A_202 : memref<100001x16xf32, #tpu.memory_space<hbm>>) dst(%dma_wait3A_196 : memref<800x16xf32, #tpu.memory_space<vmem>>)
    %dma_start3A_203 = arith.constant 0 : i32
    %dma_start3A_204 = arith.constant 0 : i32
    %dma_start3A_205 = arith.constant 0 : i32
    %dma_start3A_206 = tpu.memref_slice %arg7[%dma_start3A_203, %dma_start3A_204, %dma_start3A_205] : memref<8x800x16xf32, #tpu.memory_space<vmem>> -> memref<1x800x16xf32, #tpu.memory_space<vmem>>
    %dma_start3A_207 = tpu.memref_squeeze %dma_start3A_206 : memref<1x800x16xf32, #tpu.memory_space<vmem>> -> memref<800x16xf32, #tpu.memory_space<vmem>>
    %dma_start3A_208 = arith.constant 0 : i32
    %dma_start3A_209 = tpu.memref_slice %arg4[%mul3A_4, %dma_start3A_208] : memref<25600x128xf32, #tpu.memory_space<hbm>> -> memref<800x16xf32, #tpu.memory_space<hbm>>
    %dma_start3A_210 = arith.constant 0 : i32
    %dma_start3A_211 = tpu.memref_slice %arg4[%mul3A_4, %dma_start3A_210] : memref<25600x128xf32, #tpu.memory_space<hbm>> -> memref<800x16xf32, #tpu.memory_space<hbm>>
    %dma_start3A_212 = arith.constant 0 : i32
    %dma_start3A_213 = arith.constant 0 : i32
    %dma_start3A_214 = tpu.memref_slice %arg7[%dma_start3A_203, %dma_start3A_212, %dma_start3A_213] : memref<8x800x16xf32, #tpu.memory_space<vmem>> -> memref<1x800x16xf32, #tpu.memory_space<vmem>>
    %dma_start3A_215 = tpu.memref_squeeze %dma_start3A_214 : memref<1x800x16xf32, #tpu.memory_space<vmem>> -> memref<800x16xf32, #tpu.memory_space<vmem>>
    tpu.enqueue_dma source(%dma_start3A_215 : memref<800x16xf32, #tpu.memory_space<vmem>>) target(%dma_start3A_211 : memref<800x16xf32, #tpu.memory_space<hbm>>) target_semaphore(%arg9 : memref<!tpu.dma_semaphore, #tpu.memory_space<semaphore_mem>>)
    %dma_start3A_216 = arith.constant 1 : i32
    %dma_start3A_217 = arith.constant 0 : i32
    %dma_start3A_218 = arith.constant 0 : i32
    %dma_start3A_219 = tpu.memref_slice %arg7[%dma_start3A_216, %dma_start3A_217, %dma_start3A_218] : memref<8x800x16xf32, #tpu.memory_space<vmem>> -> memref<1x800x16xf32, #tpu.memory_space<vmem>>
    %dma_start3A_220 = tpu.memref_squeeze %dma_start3A_219 : memref<1x800x16xf32, #tpu.memory_space<vmem>> -> memref<800x16xf32, #tpu.memory_space<vmem>>
    %dma_start3A_221 = arith.constant 16 : i32
    %dma_start3A_222 = tpu.memref_slice %arg4[%mul3A_4, %dma_start3A_221] : memref<25600x128xf32, #tpu.memory_space<hbm>> -> memref<800x16xf32, #tpu.memory_space<hbm>>
    %dma_start3A_223 = arith.constant 16 : i32
    %dma_start3A_224 = tpu.memref_slice %arg4[%mul3A_4, %dma_start3A_223] : memref<25600x128xf32, #tpu.memory_space<hbm>> -> memref<800x16xf32, #tpu.memory_space<hbm>>
    %dma_start3A_225 = arith.constant 0 : i32
    %dma_start3A_226 = arith.constant 0 : i32
    %dma_start3A_227 = tpu.memref_slice %arg7[%dma_start3A_216, %dma_start3A_225, %dma_start3A_226] : memref<8x800x16xf32, #tpu.memory_space<vmem>> -> memref<1x800x16xf32, #tpu.memory_space<vmem>>
    %dma_start3A_228 = tpu.memref_squeeze %dma_start3A_227 : memref<1x800x16xf32, #tpu.memory_space<vmem>> -> memref<800x16xf32, #tpu.memory_space<vmem>>
    tpu.enqueue_dma source(%dma_start3A_228 : memref<800x16xf32, #tpu.memory_space<vmem>>) target(%dma_start3A_224 : memref<800x16xf32, #tpu.memory_space<hbm>>) target_semaphore(%arg9 : memref<!tpu.dma_semaphore, #tpu.memory_space<semaphore_mem>>)
    %dma_start3A_229 = arith.constant 2 : i32
    %dma_start3A_230 = arith.constant 0 : i32
    %dma_start3A_231 = arith.constant 0 : i32
    %dma_start3A_232 = tpu.memref_slice %arg7[%dma_start3A_229, %dma_start3A_230, %dma_start3A_231] : memref<8x800x16xf32, #tpu.memory_space<vmem>> -> memref<1x800x16xf32, #tpu.memory_space<vmem>>
    %dma_start3A_233 = tpu.memref_squeeze %dma_start3A_232 : memref<1x800x16xf32, #tpu.memory_space<vmem>> -> memref<800x16xf32, #tpu.memory_space<vmem>>
    %dma_start3A_234 = arith.constant 32 : i32
    %dma_start3A_235 = tpu.memref_slice %arg4[%mul3A_4, %dma_start3A_234] : memref<25600x128xf32, #tpu.memory_space<hbm>> -> memref<800x16xf32, #tpu.memory_space<hbm>>
    %dma_start3A_236 = arith.constant 32 : i32
    %dma_start3A_237 = tpu.memref_slice %arg4[%mul3A_4, %dma_start3A_236] : memref<25600x128xf32, #tpu.memory_space<hbm>> -> memref<800x16xf32, #tpu.memory_space<hbm>>
    %dma_start3A_238 = arith.constant 0 : i32
    %dma_start3A_239 = arith.constant 0 : i32
    %dma_start3A_240 = tpu.memref_slice %arg7[%dma_start3A_229, %dma_start3A_238, %dma_start3A_239] : memref<8x800x16xf32, #tpu.memory_space<vmem>> -> memref<1x800x16xf32, #tpu.memory_space<vmem>>
    %dma_start3A_241 = tpu.memref_squeeze %dma_start3A_240 : memref<1x800x16xf32, #tpu.memory_space<vmem>> -> memref<800x16xf32, #tpu.memory_space<vmem>>
    tpu.enqueue_dma source(%dma_start3A_241 : memref<800x16xf32, #tpu.memory_space<vmem>>) target(%dma_start3A_237 : memref<800x16xf32, #tpu.memory_space<hbm>>) target_semaphore(%arg9 : memref<!tpu.dma_semaphore, #tpu.memory_space<semaphore_mem>>)
    %dma_start3A_242 = arith.constant 3 : i32
    %dma_start3A_243 = arith.constant 0 : i32
    %dma_start3A_244 = arith.constant 0 : i32
    %dma_start3A_245 = tpu.memref_slice %arg7[%dma_start3A_242, %dma_start3A_243, %dma_start3A_244] : memref<8x800x16xf32, #tpu.memory_space<vmem>> -> memref<1x800x16xf32, #tpu.memory_space<vmem>>
    %dma_start3A_246 = tpu.memref_squeeze %dma_start3A_245 : memref<1x800x16xf32, #tpu.memory_space<vmem>> -> memref<800x16xf32, #tpu.memory_space<vmem>>
    %dma_start3A_247 = arith.constant 48 : i32
    %dma_start3A_248 = tpu.memref_slice %arg4[%mul3A_4, %dma_start3A_247] : memref<25600x128xf32, #tpu.memory_space<hbm>> -> memref<800x16xf32, #tpu.memory_space<hbm>>
    %dma_start3A_249 = arith.constant 48 : i32
    %dma_start3A_250 = tpu.memref_slice %arg4[%mul3A_4, %dma_start3A_249] : memref<25600x128xf32, #tpu.memory_space<hbm>> -> memref<800x16xf32, #tpu.memory_space<hbm>>
    %dma_start3A_251 = arith.constant 0 : i32
    %dma_start3A_252 = arith.constant 0 : i32
    %dma_start3A_253 = tpu.memref_slice %arg7[%dma_start3A_242, %dma_start3A_251, %dma_start3A_252] : memref<8x800x16xf32, #tpu.memory_space<vmem>> -> memref<1x800x16xf32, #tpu.memory_space<vmem>>
    %dma_start3A_254 = tpu.memref_squeeze %dma_start3A_253 : memref<1x800x16xf32, #tpu.memory_space<vmem>> -> memref<800x16xf32, #tpu.memory_space<vmem>>
    tpu.enqueue_dma source(%dma_start3A_254 : memref<800x16xf32, #tpu.memory_space<vmem>>) target(%dma_start3A_250 : memref<800x16xf32, #tpu.memory_space<hbm>>) target_semaphore(%arg9 : memref<!tpu.dma_semaphore, #tpu.memory_space<semaphore_mem>>)
    %dma_start3A_255 = arith.constant 4 : i32
    %dma_start3A_256 = arith.constant 0 : i32
    %dma_start3A_257 = arith.constant 0 : i32
    %dma_start3A_258 = tpu.memref_slice %arg7[%dma_start3A_255, %dma_start3A_256, %dma_start3A_257] : memref<8x800x16xf32, #tpu.memory_space<vmem>> -> memref<1x800x16xf32, #tpu.memory_space<vmem>>
    %dma_start3A_259 = tpu.memref_squeeze %dma_start3A_258 : memref<1x800x16xf32, #tpu.memory_space<vmem>> -> memref<800x16xf32, #tpu.memory_space<vmem>>
    %dma_start3A_260 = arith.constant 64 : i32
    %dma_start3A_261 = tpu.memref_slice %arg4[%mul3A_4, %dma_start3A_260] : memref<25600x128xf32, #tpu.memory_space<hbm>> -> memref<800x16xf32, #tpu.memory_space<hbm>>
    %dma_start3A_262 = arith.constant 64 : i32
    %dma_start3A_263 = tpu.memref_slice %arg4[%mul3A_4, %dma_start3A_262] : memref<25600x128xf32, #tpu.memory_space<hbm>> -> memref<800x16xf32, #tpu.memory_space<hbm>>
    %dma_start3A_264 = arith.constant 0 : i32
    %dma_start3A_265 = arith.constant 0 : i32
    %dma_start3A_266 = tpu.memref_slice %arg7[%dma_start3A_255, %dma_start3A_264, %dma_start3A_265] : memref<8x800x16xf32, #tpu.memory_space<vmem>> -> memref<1x800x16xf32, #tpu.memory_space<vmem>>
    %dma_start3A_267 = tpu.memref_squeeze %dma_start3A_266 : memref<1x800x16xf32, #tpu.memory_space<vmem>> -> memref<800x16xf32, #tpu.memory_space<vmem>>
    tpu.enqueue_dma source(%dma_start3A_267 : memref<800x16xf32, #tpu.memory_space<vmem>>) target(%dma_start3A_263 : memref<800x16xf32, #tpu.memory_space<hbm>>) target_semaphore(%arg9 : memref<!tpu.dma_semaphore, #tpu.memory_space<semaphore_mem>>)
    %dma_start3A_268 = arith.constant 5 : i32
    %dma_start3A_269 = arith.constant 0 : i32
    %dma_start3A_270 = arith.constant 0 : i32
    %dma_start3A_271 = tpu.memref_slice %arg7[%dma_start3A_268, %dma_start3A_269, %dma_start3A_270] : memref<8x800x16xf32, #tpu.memory_space<vmem>> -> memref<1x800x16xf32, #tpu.memory_space<vmem>>
    %dma_start3A_272 = tpu.memref_squeeze %dma_start3A_271 : memref<1x800x16xf32, #tpu.memory_space<vmem>> -> memref<800x16xf32, #tpu.memory_space<vmem>>
    %dma_start3A_273 = arith.constant 80 : i32
    %dma_start3A_274 = tpu.memref_slice %arg4[%mul3A_4, %dma_start3A_273] : memref<25600x128xf32, #tpu.memory_space<hbm>> -> memref<800x16xf32, #tpu.memory_space<hbm>>
    %dma_start3A_275 = arith.constant 80 : i32
    %dma_start3A_276 = tpu.memref_slice %arg4[%mul3A_4, %dma_start3A_275] : memref<25600x128xf32, #tpu.memory_space<hbm>> -> memref<800x16xf32, #tpu.memory_space<hbm>>
    %dma_start3A_277 = arith.constant 0 : i32
    %dma_start3A_278 = arith.constant 0 : i32
    %dma_start3A_279 = tpu.memref_slice %arg7[%dma_start3A_268, %dma_start3A_277, %dma_start3A_278] : memref<8x800x16xf32, #tpu.memory_space<vmem>> -> memref<1x800x16xf32, #tpu.memory_space<vmem>>
    %dma_start3A_280 = tpu.memref_squeeze %dma_start3A_279 : memref<1x800x16xf32, #tpu.memory_space<vmem>> -> memref<800x16xf32, #tpu.memory_space<vmem>>
    tpu.enqueue_dma source(%dma_start3A_280 : memref<800x16xf32, #tpu.memory_space<vmem>>) target(%dma_start3A_276 : memref<800x16xf32, #tpu.memory_space<hbm>>) target_semaphore(%arg9 : memref<!tpu.dma_semaphore, #tpu.memory_space<semaphore_mem>>)
    %dma_start3A_281 = arith.constant 6 : i32
    %dma_start3A_282 = arith.constant 0 : i32
    %dma_start3A_283 = arith.constant 0 : i32
    %dma_start3A_284 = tpu.memref_slice %arg7[%dma_start3A_281, %dma_start3A_282, %dma_start3A_283] : memref<8x800x16xf32, #tpu.memory_space<vmem>> -> memref<1x800x16xf32, #tpu.memory_space<vmem>>
    %dma_start3A_285 = tpu.memref_squeeze %dma_start3A_284 : memref<1x800x16xf32, #tpu.memory_space<vmem>> -> memref<800x16xf32, #tpu.memory_space<vmem>>
    %dma_start3A_286 = arith.constant 96 : i32
    %dma_start3A_287 = tpu.memref_slice %arg4[%mul3A_4, %dma_start3A_286] : memref<25600x128xf32, #tpu.memory_space<hbm>> -> memref<800x16xf32, #tpu.memory_space<hbm>>
    %dma_start3A_288 = arith.constant 96 : i32
    %dma_start3A_289 = tpu.memref_slice %arg4[%mul3A_4, %dma_start3A_288] : memref<25600x128xf32, #tpu.memory_space<hbm>> -> memref<800x16xf32, #tpu.memory_space<hbm>>
    %dma_start3A_290 = arith.constant 0 : i32
    %dma_start3A_291 = arith.constant 0 : i32
    %dma_start3A_292 = tpu.memref_slice %arg7[%dma_start3A_281, %dma_start3A_290, %dma_start3A_291] : memref<8x800x16xf32, #tpu.memory_space<vmem>> -> memref<1x800x16xf32, #tpu.memory_space<vmem>>
    %dma_start3A_293 = tpu.memref_squeeze %dma_start3A_292 : memref<1x800x16xf32, #tpu.memory_space<vmem>> -> memref<800x16xf32, #tpu.memory_space<vmem>>
    tpu.enqueue_dma source(%dma_start3A_293 : memref<800x16xf32, #tpu.memory_space<vmem>>) target(%dma_start3A_289 : memref<800x16xf32, #tpu.memory_space<hbm>>) target_semaphore(%arg9 : memref<!tpu.dma_semaphore, #tpu.memory_space<semaphore_mem>>)
    %dma_start3A_294 = arith.constant 7 : i32
    %dma_start3A_295 = arith.constant 0 : i32
    %dma_start3A_296 = arith.constant 0 : i32
    %dma_start3A_297 = tpu.memref_slice %arg7[%dma_start3A_294, %dma_start3A_295, %dma_start3A_296] : memref<8x800x16xf32, #tpu.memory_space<vmem>> -> memref<1x800x16xf32, #tpu.memory_space<vmem>>
    %dma_start3A_298 = tpu.memref_squeeze %dma_start3A_297 : memref<1x800x16xf32, #tpu.memory_space<vmem>> -> memref<800x16xf32, #tpu.memory_space<vmem>>
    %dma_start3A_299 = arith.constant 112 : i32
    %dma_start3A_300 = tpu.memref_slice %arg4[%mul3A_4, %dma_start3A_299] : memref<25600x128xf32, #tpu.memory_space<hbm>> -> memref<800x16xf32, #tpu.memory_space<hbm>>
    %dma_start3A_301 = arith.constant 112 : i32
    %dma_start3A_302 = tpu.memref_slice %arg4[%mul3A_4, %dma_start3A_301] : memref<25600x128xf32, #tpu.memory_space<hbm>> -> memref<800x16xf32, #tpu.memory_space<hbm>>
    %dma_start3A_303 = arith.constant 0 : i32
    %dma_start3A_304 = arith.constant 0 : i32
    %dma_start3A_305 = tpu.memref_slice %arg7[%dma_start3A_294, %dma_start3A_303, %dma_start3A_304] : memref<8x800x16xf32, #tpu.memory_space<vmem>> -> memref<1x800x16xf32, #tpu.memory_space<vmem>>
    %dma_start3A_306 = tpu.memref_squeeze %dma_start3A_305 : memref<1x800x16xf32, #tpu.memory_space<vmem>> -> memref<800x16xf32, #tpu.memory_space<vmem>>
    tpu.enqueue_dma source(%dma_start3A_306 : memref<800x16xf32, #tpu.memory_space<vmem>>) target(%dma_start3A_302 : memref<800x16xf32, #tpu.memory_space<hbm>>) target_semaphore(%arg9 : memref<!tpu.dma_semaphore, #tpu.memory_space<semaphore_mem>>)
    %dma_wait3A_307 = arith.constant 0 : i32
    %dma_wait3A_308 = arith.constant 0 : i32
    %dma_wait3A_309 = arith.constant 0 : i32
    %dma_wait3A_310 = tpu.memref_slice %arg7[%dma_wait3A_307, %dma_wait3A_308, %dma_wait3A_309] : memref<8x800x16xf32, #tpu.memory_space<vmem>> -> memref<1x800x16xf32, #tpu.memory_space<vmem>>
    %dma_wait3A_311 = tpu.memref_squeeze %dma_wait3A_310 : memref<1x800x16xf32, #tpu.memory_space<vmem>> -> memref<800x16xf32, #tpu.memory_space<vmem>>
    %dma_wait3A_312 = arith.constant 0 : i32
    %dma_wait3A_313 = tpu.memref_slice %arg4[%mul3A_4, %dma_wait3A_312] : memref<25600x128xf32, #tpu.memory_space<hbm>> -> memref<800x16xf32, #tpu.memory_space<hbm>>
    %dma_wait3A_314 = arith.constant 0 : i32
    %dma_wait3A_315 = tpu.memref_slice %arg4[%mul3A_4, %dma_wait3A_314] : memref<25600x128xf32, #tpu.memory_space<hbm>> -> memref<800x16xf32, #tpu.memory_space<hbm>>
    %dma_wait3A_316 = arith.constant 0 : i32
    %dma_wait3A_317 = arith.constant 0 : i32
    %dma_wait3A_318 = tpu.memref_slice %arg7[%dma_wait3A_307, %dma_wait3A_316, %dma_wait3A_317] : memref<8x800x16xf32, #tpu.memory_space<vmem>> -> memref<1x800x16xf32, #tpu.memory_space<vmem>>
    %dma_wait3A_319 = tpu.memref_squeeze %dma_wait3A_318 : memref<1x800x16xf32, #tpu.memory_space<vmem>> -> memref<800x16xf32, #tpu.memory_space<vmem>>
    tpu.wait_dma2 semaphore(%arg9 : memref<!tpu.dma_semaphore, #tpu.memory_space<semaphore_mem>>) src(%dma_wait3A_319 : memref<800x16xf32, #tpu.memory_space<vmem>>) dst(%dma_wait3A_315 : memref<800x16xf32, #tpu.memory_space<hbm>>)
    %dma_wait3A_320 = arith.constant 1 : i32
    %dma_wait3A_321 = arith.constant 0 : i32
    %dma_wait3A_322 = arith.constant 0 : i32
    %dma_wait3A_323 = tpu.memref_slice %arg7[%dma_wait3A_320, %dma_wait3A_321, %dma_wait3A_322] : memref<8x800x16xf32, #tpu.memory_space<vmem>> -> memref<1x800x16xf32, #tpu.memory_space<vmem>>
    %dma_wait3A_324 = tpu.memref_squeeze %dma_wait3A_323 : memref<1x800x16xf32, #tpu.memory_space<vmem>> -> memref<800x16xf32, #tpu.memory_space<vmem>>
    %dma_wait3A_325 = arith.constant 16 : i32
    %dma_wait3A_326 = tpu.memref_slice %arg4[%mul3A_4, %dma_wait3A_325] : memref<25600x128xf32, #tpu.memory_space<hbm>> -> memref<800x16xf32, #tpu.memory_space<hbm>>
    %dma_wait3A_327 = arith.constant 16 : i32
    %dma_wait3A_328 = tpu.memref_slice %arg4[%mul3A_4, %dma_wait3A_327] : memref<25600x128xf32, #tpu.memory_space<hbm>> -> memref<800x16xf32, #tpu.memory_space<hbm>>
    %dma_wait3A_329 = arith.constant 0 : i32
    %dma_wait3A_330 = arith.constant 0 : i32
    %dma_wait3A_331 = tpu.memref_slice %arg7[%dma_wait3A_320, %dma_wait3A_329, %dma_wait3A_330] : memref<8x800x16xf32, #tpu.memory_space<vmem>> -> memref<1x800x16xf32, #tpu.memory_space<vmem>>
    %dma_wait3A_332 = tpu.memref_squeeze %dma_wait3A_331 : memref<1x800x16xf32, #tpu.memory_space<vmem>> -> memref<800x16xf32, #tpu.memory_space<vmem>>
    tpu.wait_dma2 semaphore(%arg9 : memref<!tpu.dma_semaphore, #tpu.memory_space<semaphore_mem>>) src(%dma_wait3A_332 : memref<800x16xf32, #tpu.memory_space<vmem>>) dst(%dma_wait3A_328 : memref<800x16xf32, #tpu.memory_space<hbm>>)
    %dma_wait3A_333 = arith.constant 2 : i32
    %dma_wait3A_334 = arith.constant 0 : i32
    %dma_wait3A_335 = arith.constant 0 : i32
    %dma_wait3A_336 = tpu.memref_slice %arg7[%dma_wait3A_333, %dma_wait3A_334, %dma_wait3A_335] : memref<8x800x16xf32, #tpu.memory_space<vmem>> -> memref<1x800x16xf32, #tpu.memory_space<vmem>>
    %dma_wait3A_337 = tpu.memref_squeeze %dma_wait3A_336 : memref<1x800x16xf32, #tpu.memory_space<vmem>> -> memref<800x16xf32, #tpu.memory_space<vmem>>
    %dma_wait3A_338 = arith.constant 32 : i32
    %dma_wait3A_339 = tpu.memref_slice %arg4[%mul3A_4, %dma_wait3A_338] : memref<25600x128xf32, #tpu.memory_space<hbm>> -> memref<800x16xf32, #tpu.memory_space<hbm>>
    %dma_wait3A_340 = arith.constant 32 : i32
    %dma_wait3A_341 = tpu.memref_slice %arg4[%mul3A_4, %dma_wait3A_340] : memref<25600x128xf32, #tpu.memory_space<hbm>> -> memref<800x16xf32, #tpu.memory_space<hbm>>
    %dma_wait3A_342 = arith.constant 0 : i32
    %dma_wait3A_343 = arith.constant 0 : i32
    %dma_wait3A_344 = tpu.memref_slice %arg7[%dma_wait3A_333, %dma_wait3A_342, %dma_wait3A_343] : memref<8x800x16xf32, #tpu.memory_space<vmem>> -> memref<1x800x16xf32, #tpu.memory_space<vmem>>
    %dma_wait3A_345 = tpu.memref_squeeze %dma_wait3A_344 : memref<1x800x16xf32, #tpu.memory_space<vmem>> -> memref<800x16xf32, #tpu.memory_space<vmem>>
    tpu.wait_dma2 semaphore(%arg9 : memref<!tpu.dma_semaphore, #tpu.memory_space<semaphore_mem>>) src(%dma_wait3A_345 : memref<800x16xf32, #tpu.memory_space<vmem>>) dst(%dma_wait3A_341 : memref<800x16xf32, #tpu.memory_space<hbm>>)
    %dma_wait3A_346 = arith.constant 3 : i32
    %dma_wait3A_347 = arith.constant 0 : i32
    %dma_wait3A_348 = arith.constant 0 : i32
    %dma_wait3A_349 = tpu.memref_slice %arg7[%dma_wait3A_346, %dma_wait3A_347, %dma_wait3A_348] : memref<8x800x16xf32, #tpu.memory_space<vmem>> -> memref<1x800x16xf32, #tpu.memory_space<vmem>>
    %dma_wait3A_350 = tpu.memref_squeeze %dma_wait3A_349 : memref<1x800x16xf32, #tpu.memory_space<vmem>> -> memref<800x16xf32, #tpu.memory_space<vmem>>
    %dma_wait3A_351 = arith.constant 48 : i32
    %dma_wait3A_352 = tpu.memref_slice %arg4[%mul3A_4, %dma_wait3A_351] : memref<25600x128xf32, #tpu.memory_space<hbm>> -> memref<800x16xf32, #tpu.memory_space<hbm>>
    %dma_wait3A_353 = arith.constant 48 : i32
    %dma_wait3A_354 = tpu.memref_slice %arg4[%mul3A_4, %dma_wait3A_353] : memref<25600x128xf32, #tpu.memory_space<hbm>> -> memref<800x16xf32, #tpu.memory_space<hbm>>
    %dma_wait3A_355 = arith.constant 0 : i32
    %dma_wait3A_356 = arith.constant 0 : i32
    %dma_wait3A_357 = tpu.memref_slice %arg7[%dma_wait3A_346, %dma_wait3A_355, %dma_wait3A_356] : memref<8x800x16xf32, #tpu.memory_space<vmem>> -> memref<1x800x16xf32, #tpu.memory_space<vmem>>
    %dma_wait3A_358 = tpu.memref_squeeze %dma_wait3A_357 : memref<1x800x16xf32, #tpu.memory_space<vmem>> -> memref<800x16xf32, #tpu.memory_space<vmem>>
    tpu.wait_dma2 semaphore(%arg9 : memref<!tpu.dma_semaphore, #tpu.memory_space<semaphore_mem>>) src(%dma_wait3A_358 : memref<800x16xf32, #tpu.memory_space<vmem>>) dst(%dma_wait3A_354 : memref<800x16xf32, #tpu.memory_space<hbm>>)
    %dma_wait3A_359 = arith.constant 4 : i32
    %dma_wait3A_360 = arith.constant 0 : i32
    %dma_wait3A_361 = arith.constant 0 : i32
    %dma_wait3A_362 = tpu.memref_slice %arg7[%dma_wait3A_359, %dma_wait3A_360, %dma_wait3A_361] : memref<8x800x16xf32, #tpu.memory_space<vmem>> -> memref<1x800x16xf32, #tpu.memory_space<vmem>>
    %dma_wait3A_363 = tpu.memref_squeeze %dma_wait3A_362 : memref<1x800x16xf32, #tpu.memory_space<vmem>> -> memref<800x16xf32, #tpu.memory_space<vmem>>
    %dma_wait3A_364 = arith.constant 64 : i32
    %dma_wait3A_365 = tpu.memref_slice %arg4[%mul3A_4, %dma_wait3A_364] : memref<25600x128xf32, #tpu.memory_space<hbm>> -> memref<800x16xf32, #tpu.memory_space<hbm>>
    %dma_wait3A_366 = arith.constant 64 : i32
    %dma_wait3A_367 = tpu.memref_slice %arg4[%mul3A_4, %dma_wait3A_366] : memref<25600x128xf32, #tpu.memory_space<hbm>> -> memref<800x16xf32, #tpu.memory_space<hbm>>
    %dma_wait3A_368 = arith.constant 0 : i32
    %dma_wait3A_369 = arith.constant 0 : i32
    %dma_wait3A_370 = tpu.memref_slice %arg7[%dma_wait3A_359, %dma_wait3A_368, %dma_wait3A_369] : memref<8x800x16xf32, #tpu.memory_space<vmem>> -> memref<1x800x16xf32, #tpu.memory_space<vmem>>
    %dma_wait3A_371 = tpu.memref_squeeze %dma_wait3A_370 : memref<1x800x16xf32, #tpu.memory_space<vmem>> -> memref<800x16xf32, #tpu.memory_space<vmem>>
    tpu.wait_dma2 semaphore(%arg9 : memref<!tpu.dma_semaphore, #tpu.memory_space<semaphore_mem>>) src(%dma_wait3A_371 : memref<800x16xf32, #tpu.memory_space<vmem>>) dst(%dma_wait3A_367 : memref<800x16xf32, #tpu.memory_space<hbm>>)
    %dma_wait3A_372 = arith.constant 5 : i32
    %dma_wait3A_373 = arith.constant 0 : i32
    %dma_wait3A_374 = arith.constant 0 : i32
    %dma_wait3A_375 = tpu.memref_slice %arg7[%dma_wait3A_372, %dma_wait3A_373, %dma_wait3A_374] : memref<8x800x16xf32, #tpu.memory_space<vmem>> -> memref<1x800x16xf32, #tpu.memory_space<vmem>>
    %dma_wait3A_376 = tpu.memref_squeeze %dma_wait3A_375 : memref<1x800x16xf32, #tpu.memory_space<vmem>> -> memref<800x16xf32, #tpu.memory_space<vmem>>
    %dma_wait3A_377 = arith.constant 80 : i32
    %dma_wait3A_378 = tpu.memref_slice %arg4[%mul3A_4, %dma_wait3A_377] : memref<25600x128xf32, #tpu.memory_space<hbm>> -> memref<800x16xf32, #tpu.memory_space<hbm>>
    %dma_wait3A_379 = arith.constant 80 : i32
    %dma_wait3A_380 = tpu.memref_slice %arg4[%mul3A_4, %dma_wait3A_379] : memref<25600x128xf32, #tpu.memory_space<hbm>> -> memref<800x16xf32, #tpu.memory_space<hbm>>
    %dma_wait3A_381 = arith.constant 0 : i32
    %dma_wait3A_382 = arith.constant 0 : i32
    %dma_wait3A_383 = tpu.memref_slice %arg7[%dma_wait3A_372, %dma_wait3A_381, %dma_wait3A_382] : memref<8x800x16xf32, #tpu.memory_space<vmem>> -> memref<1x800x16xf32, #tpu.memory_space<vmem>>
    %dma_wait3A_384 = tpu.memref_squeeze %dma_wait3A_383 : memref<1x800x16xf32, #tpu.memory_space<vmem>> -> memref<800x16xf32, #tpu.memory_space<vmem>>
    tpu.wait_dma2 semaphore(%arg9 : memref<!tpu.dma_semaphore, #tpu.memory_space<semaphore_mem>>) src(%dma_wait3A_384 : memref<800x16xf32, #tpu.memory_space<vmem>>) dst(%dma_wait3A_380 : memref<800x16xf32, #tpu.memory_space<hbm>>)
    %dma_wait3A_385 = arith.constant 6 : i32
    %dma_wait3A_386 = arith.constant 0 : i32
    %dma_wait3A_387 = arith.constant 0 : i32
    %dma_wait3A_388 = tpu.memref_slice %arg7[%dma_wait3A_385, %dma_wait3A_386, %dma_wait3A_387] : memref<8x800x16xf32, #tpu.memory_space<vmem>> -> memref<1x800x16xf32, #tpu.memory_space<vmem>>
    %dma_wait3A_389 = tpu.memref_squeeze %dma_wait3A_388 : memref<1x800x16xf32, #tpu.memory_space<vmem>> -> memref<800x16xf32, #tpu.memory_space<vmem>>
    %dma_wait3A_390 = arith.constant 96 : i32
    %dma_wait3A_391 = tpu.memref_slice %arg4[%mul3A_4, %dma_wait3A_390] : memref<25600x128xf32, #tpu.memory_space<hbm>> -> memref<800x16xf32, #tpu.memory_space<hbm>>
    %dma_wait3A_392 = arith.constant 96 : i32
    %dma_wait3A_393 = tpu.memref_slice %arg4[%mul3A_4, %dma_wait3A_392] : memref<25600x128xf32, #tpu.memory_space<hbm>> -> memref<800x16xf32, #tpu.memory_space<hbm>>
    %dma_wait3A_394 = arith.constant 0 : i32
    %dma_wait3A_395 = arith.constant 0 : i32
    %dma_wait3A_396 = tpu.memref_slice %arg7[%dma_wait3A_385, %dma_wait3A_394, %dma_wait3A_395] : memref<8x800x16xf32, #tpu.memory_space<vmem>> -> memref<1x800x16xf32, #tpu.memory_space<vmem>>
    %dma_wait3A_397 = tpu.memref_squeeze %dma_wait3A_396 : memref<1x800x16xf32, #tpu.memory_space<vmem>> -> memref<800x16xf32, #tpu.memory_space<vmem>>
    tpu.wait_dma2 semaphore(%arg9 : memref<!tpu.dma_semaphore, #tpu.memory_space<semaphore_mem>>) src(%dma_wait3A_397 : memref<800x16xf32, #tpu.memory_space<vmem>>) dst(%dma_wait3A_393 : memref<800x16xf32, #tpu.memory_space<hbm>>)
    %dma_wait3A_398 = arith.constant 7 : i32
    %dma_wait3A_399 = arith.constant 0 : i32
    %dma_wait3A_400 = arith.constant 0 : i32
    %dma_wait3A_401 = tpu.memref_slice %arg7[%dma_wait3A_398, %dma_wait3A_399, %dma_wait3A_400] : memref<8x800x16xf32, #tpu.memory_space<vmem>> -> memref<1x800x16xf32, #tpu.memory_space<vmem>>
    %dma_wait3A_402 = tpu.memref_squeeze %dma_wait3A_401 : memref<1x800x16xf32, #tpu.memory_space<vmem>> -> memref<800x16xf32, #tpu.memory_space<vmem>>
    %dma_wait3A_403 = arith.constant 112 : i32
    %dma_wait3A_404 = tpu.memref_slice %arg4[%mul3A_4, %dma_wait3A_403] : memref<25600x128xf32, #tpu.memory_space<hbm>> -> memref<800x16xf32, #tpu.memory_space<hbm>>
    %dma_wait3A_405 = arith.constant 112 : i32
    %dma_wait3A_406 = tpu.memref_slice %arg4[%mul3A_4, %dma_wait3A_405] : memref<25600x128xf32, #tpu.memory_space<hbm>> -> memref<800x16xf32, #tpu.memory_space<hbm>>
    %dma_wait3A_407 = arith.constant 0 : i32
    %dma_wait3A_408 = arith.constant 0 : i32
    %dma_wait3A_409 = tpu.memref_slice %arg7[%dma_wait3A_398, %dma_wait3A_407, %dma_wait3A_408] : memref<8x800x16xf32, #tpu.memory_space<vmem>> -> memref<1x800x16xf32, #tpu.memory_space<vmem>>
    %dma_wait3A_410 = tpu.memref_squeeze %dma_wait3A_409 : memref<1x800x16xf32, #tpu.memory_space<vmem>> -> memref<800x16xf32, #tpu.memory_space<vmem>>
    tpu.wait_dma2 semaphore(%arg9 : memref<!tpu.dma_semaphore, #tpu.memory_space<semaphore_mem>>) src(%dma_wait3A_410 : memref<800x16xf32, #tpu.memory_space<vmem>>) dst(%dma_wait3A_406 : memref<800x16xf32, #tpu.memory_space<hbm>>)
    return
  }
}

</mosaic_0001>

<sc_bundles>
// kernel: kernel.4.cloned.1.call-start
scs
__scs_entry_jumppad:
0x0: {  	(pc) =	sbr.rel $0x88, $3  }
0x1: {  	(tag) =	ssettag $0x0;
	lr =	simm.s32 $0x1  }
0x2: {  	[smem:$0x3F9C] =	sst lr;
	_ =	strace $0xD0000000  }
0x3: {  	_ = 	snop  }
0x4: {  	_ = 	snop  }
0x5: {  	_ = 	snop  }
0x6: {  	_ = 	snop  }
0x7: {  	_ = 	snop  }
__scs_overlays_trampoline_lowered:
0x8: {  	[smem:$0x3FAB] =	sst s0  }
0x9: {  	[smem:$0x3FAC] =	sst s1  }
0xa: {  	[smem:$0x3FAD] =	sst s2  }
0xb: {  	[smem:$0x3FAE] =	sst s3  }
0xc: {  	[smem:$0x3FAF] =	sst s4  }
0xd: {  	[smem:$0x3FB0] =	sst s5  }
0xe: {  	[smem:$0x3FB1] =	sst s6  }
0xf: {  	[smem:$0x3FB2] =	sst s7  }
0x10: {  	[smem:$0x3FB3] =	sst s8  }
0x11: {  	[smem:$0x3FB4] =	sst s9;
	s0 =	simm.s32 @!p0 $0x0  }
0x12: {  	s1 =	sld [smem:$0x3F9A];
	s0 =	simm.s32 @p0 $0x1  }
0x13: {  	[smem:$0x3FB5] =	sst s0;
	s0 =	simm.s32 @!p1 $0x0  }
0x14: {  	s2 =	sld [smem:$0x3F99];
	s0 =	simm.s32 @p1 $0x1  }
0x15: {  	[smem:$0x3FB6] =	sst s0;
	s0 =	simm.s32 @!p2 $0x0  }
0x16: {  	s3 =	sld [smem:$0x3FDB];
	s0 =	simm.s32 @p2 $0x1  }
0x17: {  	s4 =	simm.s32 $0x1BF5;
	[smem:$0x3FB8] =	sst s0  }
0x18: {  	s0 =	sld [smem:$0x3F9B];
	_ =	swait.ge [sflag:s4], $0x0  }
0x19: {  	s7 =	sld [smem:$0x3F9C]  }
0x1a: {  	s8 =	sadd.s32 $0xFFFFE003, lr  }
0x1b: {  	s9 =	sadd.s32 $0xFFFFFEF7, lr;
	s5 =	simm.s32 $0xFFFFFFFF;
	p2 =	slt.u32 s8, $0xFFFFF086  }
0x1c: {  	p1 =	slt.u32 s9, $0xF7A;
	s5 =	simm.s32 @!p2 $0x0  }
0x1d: {  	s5 =	simm.s32 @p1 $0x1;
	p0 =	seq.s32 s7, s2  }
0x1e: {  	s7 =	smul.u32 @!p0 $0xF7A, s2;
	p2 =	seq.s32 @!p0 s5, $0x0  }
0x1f: {  	s9 =	smul.u32 $0xF7A, s1;
	s8 =	simm.s32 @!p0 $0x1BF5;
	p2 =	por !p2, p0  }
0x20: {  	[sflag:s8] =	ssyncset.s32 @!p0 $0xFFFFF086;
	s6 =	sadd.s32 @!p0 s3, s7;
	s7 =	simm.s32 @!p0 $0x108  }
0x21: {  	s3 =	sadd.s32 s3, s9;
	s6 =	sadd.s32 @!p0 $0x88, s6;
	s7 =	simm.s32 @p2 $0x1082  }
0x22: {  	[simem:s7], [sflag:s8] =	dma.local @!p0 [hbm:s6], $0xF7A  }
0x23: {  	s9 =	sor.u32 $0xD0000000, s2;
	s6 =	simm.s32 $0x108;
	_ =	swait.ge @!p0 [sflag:s8], $0x0  }
0x24: {  	s3 =	sadd.s32 $0x88, s3;
	s6 =	simm.s32 @!p1 $0x1082;
	[sflag:s4] =	ssyncset.s32 $0xFFFFF086  }
0x25: {  	[simem:s6], [sflag:s4] =	dma.local [hbm:s3], $0xF7A  }
0x26: {  	[smem:$0x3F9C] =	sst s1;
	(tag) =	ssettag s2;
	_ =	strace s9  }
0x27: {  	s1 =	sld [smem:$0x3FAC]  }
0x28: {  	s2 =	sld [smem:$0x3FAD]  }
0x29: {  	s4 =	sld [smem:$0x3FAF]  }
0x2a: {  	p0 =	seq.s32 s5, $0x0;
	s5 =	sld [smem:$0x3FB0]  }
0x2b: {  	s6 =	sld [smem:$0x3FB1]  }
0x2c: {  	s7 =	sld [smem:$0x3FB2]  }
0x2d: {  	s3 =	simm.s32 $0x108;
	s8 =	sld [smem:$0x3FB3]  }
0x2e: {  	s3 =	simm.s32 @!p0 $0x1082;
	s9 =	sld [smem:$0x3FB4]  }
0x2f: {  	lr =	sadd.s32 s0, s3;
	s0 =	sld [smem:$0x3FAB]  }
0x30: {  	s3 =	sld [smem:$0x3FAE]  }
0x31: {  	[smem:$0x3FB7] =	sst s10  }
0x32: {  	s10 =	sld [smem:$0x3FB5];
	_ =	sdelay $0x3  }
0x33: {  	p0 =	seq.s32 s10, $0x1;
	s10 =	sld [smem:$0x3FB7];
	_ =	sdelay $0x3  }
0x34: {  	[smem:$0x3FB7] =	sst s10  }
0x35: {  	s10 =	sld [smem:$0x3FB6];
	_ =	sdelay $0x3  }
0x36: {  	p1 =	seq.s32 s10, $0x1;
	s10 =	sld [smem:$0x3FB7];
	_ =	sdelay $0x3  }
0x37: {  	[smem:$0x3FB7] =	sst s10  }
0x38: {  	s10 =	sld [smem:$0x3FB8]  }
0x39: {  	_ = 	snop;
	(pc) =	sbr.ind lr, $3  }
0x3a: {  	_ = 	snop  }
0x3b: {  	_ = 	snop  }
0x3c: {  	p2 =	seq.s32 s10, $0x1;
	s10 =	sld [smem:$0x3FB7]  }
0x3d: {  	_ =	shalt  }
0x3e: {  	_ =	shalt  }
0x3f: {  	_ =	shalt  }
0x40: {  	_ =	shalt  }
0x41: {  	_ =	shalt  }
0x42: {  	_ =	shalt  }
0x43: {  	_ =	shalt  }
0x44: {  	_ =	shalt  }
0x45: {  	_ =	shalt  }
0x46: {  	_ =	shalt  }
0x47: {  	_ =	shalt  }
0x48: {  	_ =	shalt  }
0x49: {  	_ =	shalt  }
0x4a: {  	_ =	shalt  }
0x4b: {  	_ =	shalt  }
0x4c: {  	_ =	shalt  }
0x4d: {  	_ =	shalt  }
0x4e: {  	_ =	shalt  }
0x4f: {  	_ =	shalt  }
0x50: {  	_ =	shalt  }
0x51: {  	_ =	shalt  }
0x52: {  	_ =	shalt  }
0x53: {  	_ =	shalt  }
0x54: {  	_ =	shalt  }
0x55: {  	_ =	shalt  }
0x56: {  	_ =	shalt  }
0x57: {  	_ =	shalt  }
0x58: {  	_ =	shalt  }
0x59: {  	_ =	shalt  }
0x5a: {  	_ =	shalt  }
0x5b: {  	_ =	shalt  }
0x5c: {  	_ =	shalt  }
0x5d: {  	_ =	shalt  }
0x5e: {  	_ =	shalt  }
0x5f: {  	_ =	shalt  }
0x60: {  	_ =	shalt  }
0x61: {  	_ =	shalt  }
0x62: {  	_ =	shalt  }
0x63: {  	_ =	shalt  }
0x64: {  	_ =	shalt  }
0x65: {  	_ =	shalt  }
0x66: {  	_ =	shalt  }
0x67: {  	_ =	shalt  }
0x68: {  	_ =	shalt  }
0x69: {  	_ =	shalt  }
0x6a: {  	_ =	shalt  }
0x6b: {  	_ =	shalt  }
0x6c: {  	_ =	shalt  }
0x6d: {  	_ =	shalt  }
0x6e: {  	_ =	shalt  }
0x6f: {  	_ =	shalt  }
0x70: {  	_ =	shalt  }
0x71: {  	_ =	shalt  }
0x72: {  	_ =	shalt  }
0x73: {  	_ =	shalt  }
0x74: {  	_ =	shalt  }
0x75: {  	_ =	shalt  }
0x76: {  	_ =	shalt  }
0x77: {  	_ =	shalt  }
0x78: {  	_ =	shalt  }
0x79: {  	_ =	shalt  }
0x7a: {  	_ =	shalt  }
0x7b: {  	_ =	shalt  }
0x7c: {  	_ =	shalt  }
0x7d: {  	_ =	shalt  }
0x7e: {  	_ =	shalt  }
0x7f: {  	_ =	shalt  }
0x80: {  	_ =	shalt  }
0x81: {  	_ =	shalt  }
0x82: {  	_ =	shalt  }
0x83: {  	_ =	shalt  }
0x84: {  	_ =	shalt  }
0x85: {  	_ =	shalt  }
0x86: {  	_ =	shalt  }
0x87: {  	_ =	shalt  }
.Lfunc_end0:
.L_simem_size_0:
called_computation_lowered:
.L_overlay_start_0:
0x88: {  	s2 =	sld [smem:$0x3FD9]  }
0x89: {  	s3 =	sld [smem:$0x3FFE];
	_ =	sdelay $0x1  }
0x8a: {  	s1 =	srdreg.scid  }
0x8b: {  	s0 =	sand.u32 $0x1, s1  }
0x8c: {  	s14 =	sshll.u32 s0, $0xA;
	s2 =	sadd.s32 s3, s2  }
0x8d: {  	s2 =	sadd.s32 s2, s14  }
0x8e: {  	[smem:$0x3FC3] =	sst s2  }
0x8f: {  	_ = 	snop  }
0x90: {  	s2 =	sld [smem:$0x3FD0];
	_ =	sdelay $0x2  }
0x91: {  	s15 =	simm.s32 $0xB;
	s4 =	simm.s32 $0x10  }
0x92: {  	[smem:s4], [sflag:s15] =	dma.local [hbm:s2], $0x1  }
0x93: {  	_ =	swait.eq [sflag:s15], $0x1  }
0x94: {  	[sflag:s15] =	ssyncset.done $0x0  }
0x95: {  	[sflag:s15] =	ssyncadd.s32 $0xFFFFFFFF  }
0x96: {  	s16 =	sld [smem:$0x10];
	(tm) =	ssettm $0x1  }
0x97: {  	s17 =	sld [smem:$0x3FFB];
	_ =	sdelay $0x3  }
0x98: {  	_ =	strace s17  }
0x99: {  	s3 =	sld [smem:$0x3FFC];
	_ =	sdelay $0x3  }
0x9a: {  	_ =	strace s3  }
0x9b: {  	s3 =	sld [smem:$0x3FFD];
	_ =	sdelay $0x3  }
0x9c: {  	_ =	strace s3  }
0x9d: {  	_ =	strace $0x8FFFFFFF  }
0x9e: {  	s18 =	sld [smem:$0x3FDB];
	_ =	sdelay $0x1  }
0x9f: {  	s19 =	simm.s32 $_scs_section_size  }
0xa0: {  	s5 =	simm.s32 $_size__tile_overlayer_lowered;
	s6 =	simm.s32 $_tile_overlayer_lowered  }
0xa1: {  	s22 =	simm.s32 $0x1BFF;
	s21 =	sshll.u32 s6, $0x1;
	s3 =	sadd.s32 s19, s18  }
0xa2: {  	s7 =	simm.s32 $0x0;
	s20 =	sshll.u32 s5, $0x1;
	s5 =	sadd.s32 s21, s3  }
0xa3: {  	[timem:s7], [sflag:s22] =	dma.local [hbm:s5], s20  }
0xa4: {  	_ =	swait.ge [sflag:s22], s20  }
0xa5: {  	s4 =	ssub.s32 $0x0, s20;
	[sflag:s22] =	ssyncset.done $0x0  }
0xa6: {  	[sflag:s22] =	ssyncadd.s32 s4;
	_ =	sdelay $0x1  }
0xa7: {  	s23 =	simm.s32 $0x1B8B  }
0xa8: {  	_ =	swait.ge [sflag:s23], $0x1  }
0xa9: {  	[sflag:s23] =	ssyncset.done $0x0  }
0xaa: {  	s25 =	simm.s32 $0x1B8E;
	s24 =	sld [smem:$0x3FFE];
	[sflag:s23] =	ssyncadd.s32 $0xFFFFFFFF  }
0xab: {  	s26 =	simm.s32 $execute0_lowered;
	[smem:$0x3FD2] =	sst s25  }
0xac: {  	s5 =	sshll.u32 s26, $0x1;
	_ =	strace $0x80000046;
	[dreg:$0x1] =	wrdreg $0xFFFFFFFF  }
0xad: {  	s28 =	simm.s32 $_size_execute0_lowered;
	s3 =	sadd.s32 s3, s5;
	[dreg:$0x0] =	wrdreg $0x0  }
0xae: {  	s5 =	sshll.u32 s28, $0x1;
	[dreg:$0x2] =	wrdreg s3  }
0xaf: {  	[dreg:$0x3] =	wrdreg s5  }
0xb0: {  	[dreg:$0x4] =	wrdreg $0xC0  }
0xb1: {  	_ =	task [dreg:s7], $0x5FFFF  }
0xb2: {  	[dreg:$0x1] =	wrdreg $0xFFFFFFFF  }
0xb3: {  	[dreg:$0x0] =	wrdreg $0x60  }
0xb4: {  	[dreg:$0x2] =	wrdreg s24  }
0xb5: {  	[dreg:$0x3] =	wrdreg s16  }
0xb6: {  	[dreg:$0x4] =	wrdreg $0x9  }
0xb7: {  	_ =	task.clear_ibuf [dreg:s7], $0x5FFFF;
	_ =	strace $0x90000046  }
0xb8: {  	s29 =	simm.s32 $0x9;
	_ =	strace $0x80000048  }
0xb9: {  	_ =	swait.ge [sflag:s29], $0x1  }
0xba: {  	[sflag:s29] =	ssyncadd.s32 $0xFFFFFFFF  }
0xbb: {  	_ =	strace $0x90000048  }
0xbc: {  	_ =	sfence  }
0xbd: {  	s30 =	sld [smem:$0x0];
	_ =	sdelay $0x2  }
0xbe: {  	s31 =	sshll.u32 s1, $0xD;
	s1 =	sshrl.u32 s1, $0x2  }
0xbf: {  	s3 =	sand.u32 $0x4000, s31;
	s1 =	sadd.s32 s1, s30  }
0xc0: {  	s0 =	sor.u32 s3, s0;
	s1 =	sshll.u32 s1, $0x11  }
0xc1: {  	s0 =	sor.u32 s1, s0  }
0xc2: {  	s0 =	sadd.s32 $0x8F2B, s0  }
0xc3: {  	[sflag:s0] =	ssyncadd.remote.s32 $0x1  }
0xc4: {  	_ =	sfence.sel $0xFFFF  }
0xc5: {  	[dreg:$0x0] =	wrdreg $0xFFFFFFFF;
	(pc) =	sbr.abs _section_cstart, $3  }
0xc6: {  	[dreg:$0x1] =	wrdreg $0xFFFFFFFF  }
0xc7: {  	_ =	task.clear_ibuf [dreg:s7], $0x2FFFF;
	_ =	strace $0x9FFFFFFF  }
0xc8: {  	(tm) =	ssettm $0x7FFFFFFF  }
0xc9: {  	_ =	shalt  }
tec
execute0_lowered:
.L_overlay_start_1:
0x0: {  	(tag) =	ssettag $0x1  }
0x1: {  	s0 =	srdreg.scid;
	s1 =	rddreg [dreg:$0x0]  }
0x2: {  	s2 =	stileid.u32;
	s4 =	rddreg [dreg:$0x1]  }
0x3: {  	s14 =	simm.s32 $0x3;
	s15 =	simm.s32 $0x320;
	s17 =	simm.s32 $0x3200  }
0x4: {  	s19 =	simm.s32 $0x6400;
	s21 =	simm.s32 $0x9600;
	s23 =	simm.s32 $0xC800  }
0x5: {  	s24 =	simm.s32 $0x2580;
	s25 =	simm.s32 $0xFA00;
	s28 =	simm.s32 $0x12C00  }
0x6: {  	s30 =	simm.s32 $0x15E00;
	s16 =	simm.s32 $0x10;
	s18 =	simm.s32 $0x80  }
0x7: {  	s20 =	simm.s32 $0x2;
	s0 =	sand.u32 $0x1, s0;
	s2 =	sshll.u32 s2, $0x1  }
0x8: {  	s22 =	simm.s32 $0x0;
	s3 =	sor.u32 s0, s2;
	s2 =	simm.s32 $0x0  }
0x9: {  	s0 =	ssub.s32 $0x2, s0;
	s5 =	smul.u32 $0x320, s3;
	[smem:$0x7FF] =	sst s2  }
0xa: {  	v0 =	vlaneseq.u32;
	s6 =	smul.u32 $0x3200, s3;
	s3 =	sadd.s32 $0x188800, s1;
	s31 =	sshrl.u32 s0, $0x1  }
0xb: {  	v0 =	vmul.u32 $0x8, v0;
	_ =	strace $0x80000047;
	s0 =	ssub.s32 s0, s31;
	s5 =	sadd.s32 s5, s1  }
0xc: {  	s4 =	sadd.s32 s4, s6;
	s13 =	smax.u32 s0, $0x1;
	s1 =	simm.s32 $0x19000  }
0xd: {  	v1 =	vor.u32 $0x1, v0;
	s0 =	simm.s32 $0x1;
	s5 =	sadd.s32 $0x1C00, s5;
	s6 =	sadd.s32 $0x2, s4  }
0xe: {  	v2 =	vor.u32 $0x2, v0;
	v3 =	vor.u32 $0x3, v0;
	v4 =	vor.u32 $0x4, v0;
	s7 =	sadd.s32 $0x4, s4;
	s8 =	sadd.s32 $0x6, s4;
	s9 =	sadd.s32 $0x8, s4  }
0xf: {  	v5 =	vor.u32 $0x5, v0;
	v6 =	vor.u32 $0x6, v0;
	v7 =	vor.u32 $0x7, v0;
	s10 =	sadd.s32 $0xA, s4;
	s11 =	sadd.s32 $0xC, s4;
	s12 =	sadd.s32 $0xE, s4  }
.LBB2_1:
0x10: {  	v8 =	vor.u32 s2, v0  }
0x11: {  	[tilespmem:s2], [sflag:$0x3] =	stream.linear.gather [hbm4b:s5+s2], $0x1900, $0x38;
	[tilespmem:$0x1C200] =	vst v63  }
0x12: {  	_ =	swait.ge [sflag:s14], $0x1900  }
0x13: {  	[sflag:s14] =	ssyncset.done $0x0  }
0x14: {  	[sflag:s14] =	ssyncadd.s32 $0xFFFFE700  }
0x15: {  	v8 =	vld.idx.msk [tilespmem:v8+s2+$0x0], $0xffff  }
0x16: {  	v9 =	vor.u32 s2, v1;
	_ =	sdelay $0x3  }
0x17: {  	[tilespmem:s24+$0xFFFFF380] =	vst v8  }
0x18: {  	v8 =	vld.idx.msk [tilespmem:v9+s2+$0x0], $0xffff  }
0x19: {  	v9 =	vor.u32 s2, v2;
	_ =	sdelay $0x3  }
0x1a: {  	[tilespmem:s24+$0xFFFFF6A0] =	vst v8  }
0x1b: {  	v8 =	vld.idx.msk [tilespmem:v9+s2+$0x0], $0xffff  }
0x1c: {  	v9 =	vor.u32 s2, v3;
	_ =	sdelay $0x3  }
0x1d: {  	[tilespmem:s24+$0xFFFFF9C0] =	vst v8  }
0x1e: {  	v8 =	vld.idx.msk [tilespmem:v9+s2+$0x0], $0xffff  }
0x1f: {  	v9 =	vor.u32 s2, v4;
	_ =	sdelay $0x3  }
0x20: {  	[tilespmem:s24+$0xFFFFFCE0] =	vst v8  }
0x21: {  	v8 =	vld.idx.msk [tilespmem:v9+s2+$0x0], $0xffff  }
0x22: {  	v9 =	vor.u32 s2, v5;
	_ =	sdelay $0x3  }
0x23: {  	[tilespmem:s24+$0x0] =	vst v8  }
0x24: {  	v8 =	vld.idx.msk [tilespmem:v9+s2+$0x0], $0xffff  }
0x25: {  	v9 =	vor.u32 s2, v6;
	_ =	sdelay $0x3  }
0x26: {  	[tilespmem:s24+$0x320] =	vst v8  }
0x27: {  	v8 =	vld.idx.msk [tilespmem:v9+s2+$0x0], $0xffff  }
0x28: {  	v9 =	vor.u32 s2, v7;
	_ =	sdelay $0x3  }
0x29: {  	[tilespmem:s24+$0x640] =	vst v8  }
0x2a: {  	s26 =	simm.s32 $0x80;
	v8 =	vld.idx.msk [tilespmem:v9+s2+$0x0], $0xffff  }
0x2b: {  	s31 =	simm.s32 $0x100;
	s29 =	simm.s32 $0x2580;
	v9 =	vor.u32 s26, v0  }
.LBB2_2:
0x2c: {  	p0 =	sne.s32 s31, $0x1880;
	_ =	sdelay $0x2  }
0x2d: {  	[tilespmem:s29+$0x960] =	vst v8  }
0x2e: {  	v8 =	vld.idx.msk [tilespmem:v9+s2+$0x0], $0xffff;
	_ =	sdelay $0x1  }
0x2f: {  	v9 =	vor.u32 s26, v1;
	_ =	sdelay $0x2  }
0x30: {  	s29 =	sadd.s32 $0x10, s29  }
0x31: {  	[tilespmem:s29+$0xFFFFF380] =	vst v8  }
0x32: {  	v8 =	vld.idx.msk [tilespmem:v9+s2+$0x0], $0xffff;
	_ =	sdelay $0x1  }
0x33: {  	v9 =	vor.u32 s26, v2;
	_ =	sdelay $0x3  }
0x34: {  	[tilespmem:s29+$0xFFFFF6A0] =	vst v8  }
0x35: {  	v8 =	vld.idx.msk [tilespmem:v9+s2+$0x0], $0xffff;
	_ =	sdelay $0x1  }
0x36: {  	v9 =	vor.u32 s26, v3;
	_ =	sdelay $0x3  }
0x37: {  	[tilespmem:s29+$0xFFFFF9C0] =	vst v8  }
0x38: {  	v8 =	vld.idx.msk [tilespmem:v9+s2+$0x0], $0xffff;
	_ =	sdelay $0x1  }
0x39: {  	v9 =	vor.u32 s26, v4;
	_ =	sdelay $0x3  }
0x3a: {  	[tilespmem:s29+$0xFFFFFCE0] =	vst v8  }
0x3b: {  	v8 =	vld.idx.msk [tilespmem:v9+s2+$0x0], $0xffff;
	_ =	sdelay $0x1  }
0x3c: {  	v9 =	vor.u32 s26, v5;
	_ =	sdelay $0x3  }
0x3d: {  	[tilespmem:s29+$0x0] =	vst v8  }
0x3e: {  	v8 =	vld.idx.msk [tilespmem:v9+s2+$0x0], $0xffff;
	_ =	sdelay $0x1  }
0x3f: {  	v9 =	vor.u32 s26, v6;
	_ =	sdelay $0x3  }
0x40: {  	[tilespmem:s29+$0x320] =	vst v8  }
0x41: {  	v8 =	vld.idx.msk [tilespmem:v9+s2+$0x0], $0xffff;
	_ =	sdelay $0x1  }
0x42: {  	v9 =	vor.u32 s26, v7;
	s26 =	smov.u32 s31;
	_ =	sdelay $0x2  }
.Ltmp0:
0x43: {  	(pc) =	sbr.rel @p0 .LBB2_2-.Ltmp0, $3  }
0x44: {  	[tilespmem:s29+$0x640] =	vst v8  }
0x45: {  	v8 =	vld.idx.msk [tilespmem:v9+s2+$0x0], $0xffff;
	_ =	sdelay $0x1  }
0x46: {  	s31 =	sadd.s32 $0x80, s31;
	v9 =	vor.u32 s26, v0  }
0x47: {  	_ =	sdelay $0x2  }
0x48: {  	[tilespmem:s29+$0x960] =	vst v8  }
0x49: {  	v8 =	vld.idx.msk [tilespmem:v9+s2+$0x0], $0xffff  }
0x4a: {  	v57 =	vor.u32 s26, v1;
	_ =	sdelay $0x2  }
0x4b: {  	s31 =	sadd.s32 $0x10, s29  }
0x4c: {  	[tilespmem:s31+$0xFFFFF380] =	vst v8  }
0x4d: {  	v8 =	vld.idx.msk [tilespmem:v57+s2+$0x0], $0xffff  }
0x4e: {  	v58 =	vor.u32 s26, v2;
	_ =	sdelay $0x3  }
0x4f: {  	[tilespmem:s31+$0xFFFFF6A0] =	vst v8  }
0x50: {  	v8 =	vld.idx.msk [tilespmem:v58+s2+$0x0], $0xffff  }
0x51: {  	v59 =	vor.u32 s26, v3;
	_ =	sdelay $0x3  }
0x52: {  	[tilespmem:s31+$0xFFFFF9C0] =	vst v8  }
0x53: {  	v8 =	vld.idx.msk [tilespmem:v59+s2+$0x0], $0xffff  }
0x54: {  	v60 =	vor.u32 s26, v4;
	_ =	sdelay $0x3  }
0x55: {  	[tilespmem:s31+$0xFFFFFCE0] =	vst v8  }
0x56: {  	v8 =	vld.idx.msk [tilespmem:v60+s2+$0x0], $0xffff  }
0x57: {  	v61 =	vor.u32 s26, v5;
	_ =	sdelay $0x3  }
0x58: {  	[tilespmem:s31+$0x0] =	vst v8  }
0x59: {  	v8 =	vld.idx.msk [tilespmem:v61+s2+$0x0], $0xffff  }
0x5a: {  	v62 =	vor.u32 s26, v6;
	_ =	sdelay $0x3  }
0x5b: {  	[tilespmem:s31+$0x320] =	vst v8  }
0x5c: {  	v8 =	vld.idx.msk [tilespmem:v62+s2+$0x0], $0xffff  }
0x5d: {  	v63 =	vor.u32 s26, v7;
	_ =	sdelay $0x3  }
0x5e: {  	[tilespmem:s31+$0x640] =	vst v8  }
0x5f: {  	v8 =	vld.idx.msk [tilespmem:v63+s2+$0x0], $0xffff;
	_ =	sdelay $0x4  }
0x60: {  	[tilespmem:s31+$0x960] =	vst v8;
	s31 =	simm.s32 $0x1900  }
0x61: {  	[tilespmem:s17], [sflag:$0x1] =	stream.indirect.gather [hbm4b:s3+s15], $0x10, s31, s15, $0xb8;
	[tilespmem:$0x1C200] =	vst v63  }
0x62: {  	s29 =	simm.s32 $0x1C20  }
0x63: {  	[tilespmem:s19], [sflag:$0x1] =	stream.indirect.gather [hbm4b:s3+s15], $0x10, s29, s15, $0xb8;
	[tilespmem:$0x1C200] =	vst v63  }
0x64: {  	s31 =	simm.s32 $0x1F40  }
0x65: {  	[tilespmem:s21], [sflag:$0x1] =	stream.indirect.gather [hbm4b:s3+s15], $0x10, s31, s15, $0xb8;
	[tilespmem:$0x1C200] =	vst v63  }
0x66: {  	s29 =	simm.s32 $0x2260  }
0x67: {  	[tilespmem:s23], [sflag:$0x1] =	stream.indirect.gather [hbm4b:s3+s15], $0x10, s29, s15, $0xb8;
	[tilespmem:$0x1C200] =	vst v63  }
0x68: {  	_ = 	snop  }
0x69: {  	[tilespmem:s25], [sflag:$0x1] =	stream.indirect.gather [hbm4b:s3+s15], $0x10, s24, s15, $0xb8;
	[tilespmem:$0x1C200] =	vst v63  }
0x6a: {  	s31 =	simm.s32 $0x28A0  }
0x6b: {  	[tilespmem:s28], [sflag:$0x1] =	stream.indirect.gather [hbm4b:s3+s15], $0x10, s31, s15, $0xb8;
	[tilespmem:$0x1C200] =	vst v63  }
0x6c: {  	s29 =	simm.s32 $0x2BC0  }
0x6d: {  	[tilespmem:s30], [sflag:$0x1] =	stream.indirect.gather [hbm4b:s3+s15], $0x10, s29, s15, $0xb8;
	[tilespmem:$0x1C200] =	vst v63  }
0x6e: {  	s31 =	simm.s32 $0x2EE0  }
0x6f: {  	[tilespmem:s1], [sflag:$0x1] =	stream.indirect.gather [hbm4b:s3+s15], $0x10, s31, s15, $0xb8;
	[tilespmem:$0x1C200] =	vst v63  }
0x70: {  	_ =	swait.ge [sflag:s0], $0x3200  }
0x71: {  	[sflag:s0] =	ssyncset.done $0x0  }
0x72: {  	[sflag:s0] =	ssyncadd.s32 $0xFFFFCE00  }
0x73: {  	_ =	swait.ge [sflag:s0], $0x3200  }
0x74: {  	[sflag:s0] =	ssyncset.done $0x0  }
0x75: {  	[sflag:s0] =	ssyncadd.s32 $0xFFFFCE00  }
0x76: {  	_ =	swait.ge [sflag:s0], $0x3200  }
0x77: {  	[sflag:s0] =	ssyncset.done $0x0  }
0x78: {  	[sflag:s0] =	ssyncadd.s32 $0xFFFFCE00  }
0x79: {  	_ =	swait.ge [sflag:s0], $0x3200  }
0x7a: {  	[sflag:s0] =	ssyncset.done $0x0  }
0x7b: {  	[sflag:s0] =	ssyncadd.s32 $0xFFFFCE00  }
0x7c: {  	_ =	swait.ge [sflag:s0], $0x3200  }
0x7d: {  	[sflag:s0] =	ssyncset.done $0x0  }
0x7e: {  	[sflag:s0] =	ssyncadd.s32 $0xFFFFCE00  }
0x7f: {  	_ =	swait.ge [sflag:s0], $0x3200  }
0x80: {  	[sflag:s0] =	ssyncset.done $0x0  }
0x81: {  	[sflag:s0] =	ssyncadd.s32 $0xFFFFCE00  }
0x82: {  	_ =	swait.ge [sflag:s0], $0x3200  }
0x83: {  	[sflag:s0] =	ssyncset.done $0x0  }
0x84: {  	[sflag:s0] =	ssyncadd.s32 $0xFFFFCE00  }
0x85: {  	_ =	swait.ge [sflag:s0], $0x3200  }
0x86: {  	[sflag:s0] =	ssyncset.done $0x0  }
0x87: {  	[sflag:s0] =	ssyncadd.s32 $0xFFFFCE00  }
0x88: {  	[hbm4b:s4+s16] =	stream.strided.scatter [tilespmem:s17], [sflag:$0x2], $0x3200, s18, s16, $0x38;
	[tilespmem:$0x1C200] =	vst v63  }
0x89: {  	_ = 	snop  }
0x8a: {  	[hbm4b:s6+s16] =	stream.strided.scatter [tilespmem:s19], [sflag:$0x2], $0x3200, s18, s16, $0x38;
	[tilespmem:$0x1C200] =	vst v63  }
0x8b: {  	_ = 	snop  }
0x8c: {  	[hbm4b:s7+s16] =	stream.strided.scatter [tilespmem:s21], [sflag:$0x2], $0x3200, s18, s16, $0x38;
	[tilespmem:$0x1C200] =	vst v63  }
0x8d: {  	_ = 	snop  }
0x8e: {  	[hbm4b:s8+s16] =	stream.strided.scatter [tilespmem:s23], [sflag:$0x2], $0x3200, s18, s16, $0x38;
	[tilespmem:$0x1C200] =	vst v63  }
0x8f: {  	_ = 	snop  }
0x90: {  	[hbm4b:s9+s16] =	stream.strided.scatter [tilespmem:s25], [sflag:$0x2], $0x3200, s18, s16, $0x38;
	[tilespmem:$0x1C200] =	vst v63  }
0x91: {  	_ = 	snop  }
0x92: {  	[hbm4b:s10+s16] =	stream.strided.scatter [tilespmem:s28], [sflag:$0x2], $0x3200, s18, s16, $0x38;
	[tilespmem:$0x1C200] =	vst v63  }
0x93: {  	_ = 	snop  }
0x94: {  	[hbm4b:s11+s16] =	stream.strided.scatter [tilespmem:s30], [sflag:$0x2], $0x3200, s18, s16, $0x38;
	[tilespmem:$0x1C200] =	vst v63  }
0x95: {  	_ = 	snop  }
0x96: {  	[hbm4b:s12+s16] =	stream.strided.scatter [tilespmem:s1], [sflag:$0x2], $0x3200, s18, s16, $0x38;
	[tilespmem:$0x1C200] =	vst v63  }
0x97: {  	_ =	swait.ge [sflag:s20], $0x3200  }
0x98: {  	[sflag:s20] =	ssyncset.done $0x0  }
0x99: {  	[sflag:s20] =	ssyncadd.s32 $0xFFFFCE00  }
0x9a: {  	_ =	swait.ge [sflag:s20], $0x3200  }
0x9b: {  	[sflag:s20] =	ssyncset.done $0x0  }
0x9c: {  	[sflag:s20] =	ssyncadd.s32 $0xFFFFCE00  }
0x9d: {  	_ =	swait.ge [sflag:s20], $0x3200  }
0x9e: {  	[sflag:s20] =	ssyncset.done $0x0  }
0x9f: {  	[sflag:s20] =	ssyncadd.s32 $0xFFFFCE00  }
0xa0: {  	_ =	swait.ge [sflag:s20], $0x3200  }
0xa1: {  	[sflag:s20] =	ssyncset.done $0x0  }
0xa2: {  	[sflag:s20] =	ssyncadd.s32 $0xFFFFCE00  }
0xa3: {  	_ =	swait.ge [sflag:s20], $0x3200  }
0xa4: {  	[sflag:s20] =	ssyncset.done $0x0  }
0xa5: {  	[sflag:s20] =	ssyncadd.s32 $0xFFFFCE00  }
0xa6: {  	_ =	swait.ge [sflag:s20], $0x3200  }
0xa7: {  	[sflag:s20] =	ssyncset.done $0x0  }
0xa8: {  	s22 =	sadd.s32 $0x1, s22;
	[sflag:s20] =	ssyncadd.s32 $0xFFFFCE00  }
0xa9: {  	p0 =	sne.s32 s22, s13;
	_ =	swait.ge [sflag:s20], $0x3200  }
.Ltmp1:
0xaa: {  	[sflag:s20] =	ssyncset.done $0x0;
	(pc) =	sbr.rel @p0 .LBB2_1-.Ltmp1, $4  }
0xab: {  	[sflag:s20] =	ssyncadd.s32 $0xFFFFCE00  }
0xac: {  	_ =	swait.ge [sflag:s20], $0x3200  }
0xad: {  	[sflag:s20] =	ssyncset.done $0x0  }
0xae: {  	[sflag:s20] =	ssyncadd.s32 $0xFFFFCE00  }
0xaf: {  	_ =	sfence.sel $0x180000  }
0xb0: {  	[bflag:$0x0] =	sbarrier.arrive $0xFFFF  }
0xb1: {  	_ =	strace $0x90000047  }
0xb2: {  	s0 =	stileid.u32;
	[bflag:$0x2] =	sbarrier.arrive $0xFFFF  }
0xb3: {  	p0 =	sne.s32 s0, $0x0;
	s0 =	rddreg [dreg:$0x2]  }
0xb4: {  	s0 =	sadd.s32 @!p0 $0x100000, s0  }
0xb5: {  	[sflag:s0] =	ssyncadd.tile.s32 @!p0 $0x1;
	_ =	shalt  }
.Lfunc_end2:
_tile_overlayer_lowered:
.L_overlay_start_2:
0xb6: {  	(tag) =	ssettag $0x2  }
0xb7: {  	s0 =	rddreg [dreg:$0x0];
	s2 =	stileid.u32  }
0xb8: {  	s1 =	rddreg [dreg:$0x1];
	p0 =	sne.s32 s2, $0x0  }
0xb9: {  	s3 =	rddreg [dreg:$0x2];
	[bflag:$0x3] =	sbarrier.arrive $0xFFFF;
	s2 =	simm.s32 @!p0 $0x1C03  }
0xba: {  	[timem:s3], [sflag:s2] =	dma.local @!p0 [hbm:s0], s1  }
0xbb: {  	s0 =	simm.s32 @!p0 $0x3  }
0xbc: {  	_ =	swait.ge @!p0 [sflag:s0], s1  }
0xbd: {  	s1 =	ssub.s32 @!p0 $0x0, s1;
	[sflag:s0] =	ssyncset.done @!p0 $0x0  }
0xbe: {  	[sflag:s0] =	ssyncadd.s32 @!p0 s1  }
0xbf: {  	[bflag:$0x3] =	sbarrier.arrive $0xFFFF  }
0xc0: {  	_ =	shalt  }

// kernel: kernel.7.cloned.1.call-start
scs
__scs_entry_jumppad:
0x0: {  	(pc) =	sbr.rel $0x88, $3  }
0x1: {  	(tag) =	ssettag $0x0;
	lr =	simm.s32 $0x1  }
0x2: {  	[smem:$0x3F9C] =	sst lr;
	_ =	strace $0xD0000000  }
0x3: {  	_ = 	snop  }
0x4: {  	_ = 	snop  }
0x5: {  	_ = 	snop  }
0x6: {  	_ = 	snop  }
0x7: {  	_ = 	snop  }
__scs_overlays_trampoline_lowered:
0x8: {  	[smem:$0x3FAB] =	sst s0  }
0x9: {  	[smem:$0x3FAC] =	sst s1  }
0xa: {  	[smem:$0x3FAD] =	sst s2  }
0xb: {  	[smem:$0x3FAE] =	sst s3  }
0xc: {  	[smem:$0x3FAF] =	sst s4  }
0xd: {  	[smem:$0x3FB0] =	sst s5  }
0xe: {  	[smem:$0x3FB1] =	sst s6  }
0xf: {  	[smem:$0x3FB2] =	sst s7  }
0x10: {  	[smem:$0x3FB3] =	sst s8  }
0x11: {  	[smem:$0x3FB4] =	sst s9;
	s0 =	simm.s32 @!p0 $0x0  }
0x12: {  	s1 =	sld [smem:$0x3F9A];
	s0 =	simm.s32 @p0 $0x1  }
0x13: {  	[smem:$0x3FB5] =	sst s0;
	s0 =	simm.s32 @!p1 $0x0  }
0x14: {  	s2 =	sld [smem:$0x3F99];
	s0 =	simm.s32 @p1 $0x1  }
0x15: {  	[smem:$0x3FB6] =	sst s0;
	s0 =	simm.s32 @!p2 $0x0  }
0x16: {  	s3 =	sld [smem:$0x3FDB];
	s0 =	simm.s32 @p2 $0x1  }
0x17: {  	s4 =	simm.s32 $0x1BF5;
	[smem:$0x3FB8] =	sst s0  }
0x18: {  	s0 =	sld [smem:$0x3F9B];
	_ =	swait.ge [sflag:s4], $0x0  }
0x19: {  	s7 =	sld [smem:$0x3F9C]  }
0x1a: {  	s8 =	sadd.s32 $0xFFFFE003, lr  }
0x1b: {  	s9 =	sadd.s32 $0xFFFFFEF7, lr;
	s5 =	simm.s32 $0xFFFFFFFF;
	p2 =	slt.u32 s8, $0xFFFFF086  }
0x1c: {  	p1 =	slt.u32 s9, $0xF7A;
	s5 =	simm.s32 @!p2 $0x0  }
0x1d: {  	s5 =	simm.s32 @p1 $0x1;
	p0 =	seq.s32 s7, s2  }
0x1e: {  	s7 =	smul.u32 @!p0 $0xF7A, s2;
	p2 =	seq.s32 @!p0 s5, $0x0  }
0x1f: {  	s9 =	smul.u32 $0xF7A, s1;
	s8 =	simm.s32 @!p0 $0x1BF5;
	p2 =	por !p2, p0  }
0x20: {  	[sflag:s8] =	ssyncset.s32 @!p0 $0xFFFFF086;
	s6 =	sadd.s32 @!p0 s3, s7;
	s7 =	simm.s32 @!p0 $0x108  }
0x21: {  	s3 =	sadd.s32 s3, s9;
	s6 =	sadd.s32 @!p0 $0x88, s6;
	s7 =	simm.s32 @p2 $0x1082  }
0x22: {  	[simem:s7], [sflag:s8] =	dma.local @!p0 [hbm:s6], $0xF7A  }
0x23: {  	s9 =	sor.u32 $0xD0000000, s2;
	s6 =	simm.s32 $0x108;
	_ =	swait.ge @!p0 [sflag:s8], $0x0  }
0x24: {  	s3 =	sadd.s32 $0x88, s3;
	s6 =	simm.s32 @!p1 $0x1082;
	[sflag:s4] =	ssyncset.s32 $0xFFFFF086  }
0x25: {  	[simem:s6], [sflag:s4] =	dma.local [hbm:s3], $0xF7A  }
0x26: {  	[smem:$0x3F9C] =	sst s1;
	(tag) =	ssettag s2;
	_ =	strace s9  }
0x27: {  	s1 =	sld [smem:$0x3FAC]  }
0x28: {  	s2 =	sld [smem:$0x3FAD]  }
0x29: {  	s4 =	sld [smem:$0x3FAF]  }
0x2a: {  	p0 =	seq.s32 s5, $0x0;
	s5 =	sld [smem:$0x3FB0]  }
0x2b: {  	s6 =	sld [smem:$0x3FB1]  }
0x2c: {  	s7 =	sld [smem:$0x3FB2]  }
0x2d: {  	s3 =	simm.s32 $0x108;
	s8 =	sld [smem:$0x3FB3]  }
0x2e: {  	s3 =	simm.s32 @!p0 $0x1082;
	s9 =	sld [smem:$0x3FB4]  }
0x2f: {  	lr =	sadd.s32 s0, s3;
	s0 =	sld [smem:$0x3FAB]  }
0x30: {  	s3 =	sld [smem:$0x3FAE]  }
0x31: {  	[smem:$0x3FB7] =	sst s10  }
0x32: {  	s10 =	sld [smem:$0x3FB5];
	_ =	sdelay $0x3  }
0x33: {  	p0 =	seq.s32 s10, $0x1;
	s10 =	sld [smem:$0x3FB7];
	_ =	sdelay $0x3  }
0x34: {  	[smem:$0x3FB7] =	sst s10  }
0x35: {  	s10 =	sld [smem:$0x3FB6];
	_ =	sdelay $0x3  }
0x36: {  	p1 =	seq.s32 s10, $0x1;
	s10 =	sld [smem:$0x3FB7];
	_ =	sdelay $0x3  }
0x37: {  	[smem:$0x3FB7] =	sst s10  }
0x38: {  	s10 =	sld [smem:$0x3FB8]  }
0x39: {  	_ = 	snop;
	(pc) =	sbr.ind lr, $3  }
0x3a: {  	_ = 	snop  }
0x3b: {  	_ = 	snop  }
0x3c: {  	p2 =	seq.s32 s10, $0x1;
	s10 =	sld [smem:$0x3FB7]  }
0x3d: {  	_ =	shalt  }
0x3e: {  	_ =	shalt  }
0x3f: {  	_ =	shalt  }
0x40: {  	_ =	shalt  }
0x41: {  	_ =	shalt  }
0x42: {  	_ =	shalt  }
0x43: {  	_ =	shalt  }
0x44: {  	_ =	shalt  }
0x45: {  	_ =	shalt  }
0x46: {  	_ =	shalt  }
0x47: {  	_ =	shalt  }
0x48: {  	_ =	shalt  }
0x49: {  	_ =	shalt  }
0x4a: {  	_ =	shalt  }
0x4b: {  	_ =	shalt  }
0x4c: {  	_ =	shalt  }
0x4d: {  	_ =	shalt  }
0x4e: {  	_ =	shalt  }
0x4f: {  	_ =	shalt  }
0x50: {  	_ =	shalt  }
0x51: {  	_ =	shalt  }
0x52: {  	_ =	shalt  }
0x53: {  	_ =	shalt  }
0x54: {  	_ =	shalt  }
0x55: {  	_ =	shalt  }
0x56: {  	_ =	shalt  }
0x57: {  	_ =	shalt  }
0x58: {  	_ =	shalt  }
0x59: {  	_ =	shalt  }
0x5a: {  	_ =	shalt  }
0x5b: {  	_ =	shalt  }
0x5c: {  	_ =	shalt  }
0x5d: {  	_ =	shalt  }
0x5e: {  	_ =	shalt  }
0x5f: {  	_ =	shalt  }
0x60: {  	_ =	shalt  }
0x61: {  	_ =	shalt  }
0x62: {  	_ =	shalt  }
0x63: {  	_ =	shalt  }
0x64: {  	_ =	shalt  }
0x65: {  	_ =	shalt  }
0x66: {  	_ =	shalt  }
0x67: {  	_ =	shalt  }
0x68: {  	_ =	shalt  }
0x69: {  	_ =	shalt  }
0x6a: {  	_ =	shalt  }
0x6b: {  	_ =	shalt  }
0x6c: {  	_ =	shalt  }
0x6d: {  	_ =	shalt  }
0x6e: {  	_ =	shalt  }
0x6f: {  	_ =	shalt  }
0x70: {  	_ =	shalt  }
0x71: {  	_ =	shalt  }
0x72: {  	_ =	shalt  }
0x73: {  	_ =	shalt  }
0x74: {  	_ =	shalt  }
0x75: {  	_ =	shalt  }
0x76: {  	_ =	shalt  }
0x77: {  	_ =	shalt  }
0x78: {  	_ =	shalt  }
0x79: {  	_ =	shalt  }
0x7a: {  	_ =	shalt  }
0x7b: {  	_ =	shalt  }
0x7c: {  	_ =	shalt  }
0x7d: {  	_ =	shalt  }
0x7e: {  	_ =	shalt  }
0x7f: {  	_ =	shalt  }
0x80: {  	_ =	shalt  }
0x81: {  	_ =	shalt  }
0x82: {  	_ =	shalt  }
0x83: {  	_ =	shalt  }
0x84: {  	_ =	shalt  }
0x85: {  	_ =	shalt  }
0x86: {  	_ =	shalt  }
0x87: {  	_ =	shalt  }
.Lfunc_end0:
.L_simem_size_0:
called_computation.1_lowered:
.L_overlay_start_0:
0x88: {  	s2 =	sld [smem:$0x3FD9]  }
0x89: {  	s3 =	sld [smem:$0x3FFE];
	_ =	sdelay $0x1  }
0x8a: {  	s1 =	srdreg.scid  }
0x8b: {  	s0 =	sand.u32 $0x1, s1  }
0x8c: {  	s15 =	sshll.u32 s0, $0xA;
	s2 =	sadd.s32 s3, s2  }
0x8d: {  	s2 =	sadd.s32 s2, s15  }
0x8e: {  	[smem:$0x3FC3] =	sst s2  }
0x8f: {  	_ = 	snop  }
0x90: {  	s2 =	sld [smem:$0x3FD0];
	_ =	sdelay $0x2  }
0x91: {  	s16 =	simm.s32 $0xB;
	s4 =	simm.s32 $0x10  }
0x92: {  	[smem:s4], [sflag:s16] =	dma.local [hbm:s2], $0x1  }
0x93: {  	_ =	swait.eq [sflag:s16], $0x1  }
0x94: {  	[sflag:s16] =	ssyncset.done $0x0  }
0x95: {  	[sflag:s16] =	ssyncadd.s32 $0xFFFFFFFF  }
0x96: {  	s17 =	sld [smem:$0x11];
	(tm) =	ssettm $0x1  }
0x97: {  	s18 =	sld [smem:$0x3FFB];
	_ =	sdelay $0x3  }
0x98: {  	_ =	strace s18  }
0x99: {  	s2 =	sld [smem:$0x3FFC];
	_ =	sdelay $0x3  }
0x9a: {  	_ =	strace s2  }
0x9b: {  	s2 =	sld [smem:$0x3FFD];
	_ =	sdelay $0x3  }
0x9c: {  	_ =	strace s2  }
0x9d: {  	_ =	strace $0x8FFFFFFF  }
0x9e: {  	s19 =	sld [smem:$0x3FDB];
	_ =	sdelay $0x1  }
0x9f: {  	s20 =	simm.s32 $_scs_section_size  }
0xa0: {  	s5 =	simm.s32 $_size__tile_overlayer_lowered;
	s6 =	simm.s32 $_tile_overlayer_lowered  }
0xa1: {  	s7 =	simm.s32 $0x1BFF;
	s21 =	sshll.u32 s6, $0x1;
	s4 =	sadd.s32 s20, s19  }
0xa2: {  	s22 =	simm.s32 $0x0;
	s5 =	sshll.u32 s5, $0x1;
	s6 =	sadd.s32 s21, s4  }
0xa3: {  	[timem:s22], [sflag:s7] =	dma.local [hbm:s6], s5  }
0xa4: {  	_ =	swait.ge [sflag:s7], s5  }
0xa5: {  	s5 =	ssub.s32 $0x0, s5;
	[sflag:s7] =	ssyncset.done $0x0  }
0xa6: {  	[sflag:s7] =	ssyncadd.s32 s5;
	_ =	sdelay $0x1  }
0xa7: {  	s23 =	simm.s32 $0x1B8B  }
0xa8: {  	_ =	swait.ge [sflag:s23], $0x1  }
0xa9: {  	[sflag:s23] =	ssyncset.done $0x0  }
0xaa: {  	[sflag:s23] =	ssyncadd.s32 $0xFFFFFFFF  }
0xab: {  	s5 =	sld [smem:$0x0]  }
0xac: {  	s6 =	sand.u32 $0xFFFFFFFE, s1  }
0xad: {  	p0 =	sne.s32 s1, s6  }
0xae: {  	s6 =	sshll.u32 @p0 s6, $0xE  }
0xaf: {  	s6 =	sadd.s32 @p0 $0x11B8D, s6;
	s7 =	sshll.u32 @p0 s5, $0x11  }
0xb0: {  	s6 =	sor.u32 @p0 s7, s6  }
0xb1: {  	[sflag:s6] =	ssyncadd.remote.s32 @p0 $0x1;
	_ =	sdelay $0x1  }
0xb2: {  	s6 =	simm.s32 @p0 $0x1B8D  }
0xb3: {  	_ =	swait.eq @p0 [sflag:s6], $0x1  }
0xb4: {  	[sflag:s6] =	ssyncadd.s32 @p0 $0xFFFFFFFF  }
0xb5: {  	s7 =	sshll.u32 @!p0 s1, $0xE  }
0xb6: {  	s7 =	sor.u32 @!p0 $0x4000, s7;
	s6 =	simm.s32 @!p0 $0x1B8D  }
0xb7: {  	s5 =	sshll.u32 @!p0 s5, $0x11;
	s7 =	sadd.s32 @!p0 $0x11B8D, s7;
	_ =	swait.eq @!p0 [sflag:s6], $0x1  }
0xb8: {  	s5 =	sor.u32 @!p0 s5, s7;
	[sflag:s6] =	ssyncadd.s32 @!p0 $0xFFFFFFFF  }
0xb9: {  	s25 =	simm.s32 $0x1B8E;
	s24 =	sld [smem:$0x3FFE];
	[sflag:s5] =	ssyncadd.remote.s32 @!p0 $0x1  }
0xba: {  	s26 =	simm.s32 $execute0_lowered;
	[smem:$0x3FD2] =	sst s25  }
0xbb: {  	s6 =	sshll.u32 s26, $0x1;
	_ =	strace $0x80000049;
	[dreg:$0x1] =	wrdreg $0xFFFFFFFF  }
0xbc: {  	s28 =	simm.s32 $_size_execute0_lowered;
	s4 =	sadd.s32 s4, s6;
	[dreg:$0x0] =	wrdreg $0x0  }
0xbd: {  	s6 =	sshll.u32 s28, $0x1;
	[dreg:$0x2] =	wrdreg s4  }
0xbe: {  	[dreg:$0x3] =	wrdreg s6  }
0xbf: {  	[dreg:$0x4] =	wrdreg $0xC0  }
0xc0: {  	_ =	task [dreg:s22], $0x5FFFF  }
0xc1: {  	[dreg:$0x1] =	wrdreg $0xFFFFFFFF  }
0xc2: {  	[dreg:$0x0] =	wrdreg $0x60  }
0xc3: {  	[dreg:$0x2] =	wrdreg s24  }
0xc4: {  	[dreg:$0x3] =	wrdreg s17  }
0xc5: {  	[dreg:$0x4] =	wrdreg $0xA  }
0xc6: {  	_ =	task.clear_ibuf [dreg:s22], $0x5FFFF;
	_ =	strace $0x90000049  }
0xc7: {  	s29 =	simm.s32 $0xA;
	_ =	strace $0x8000004B  }
0xc8: {  	_ =	swait.ge [sflag:s29], $0x1  }
0xc9: {  	[sflag:s29] =	ssyncadd.s32 $0xFFFFFFFF  }
0xca: {  	_ =	strace $0x9000004B  }
0xcb: {  	_ =	sfence  }
0xcc: {  	s30 =	sld [smem:$0x0];
	_ =	sdelay $0x2  }
0xcd: {  	s31 =	sshll.u32 s1, $0xD;
	s1 =	sshrl.u32 s1, $0x2  }
0xce: {  	s4 =	sand.u32 $0x4000, s31;
	s1 =	sadd.s32 s1, s30  }
0xcf: {  	s0 =	sor.u32 s4, s0;
	s1 =	sshll.u32 s1, $0x11  }
0xd0: {  	s0 =	sor.u32 s1, s0  }
0xd1: {  	s0 =	sadd.s32 $0x8F2B, s0  }
0xd2: {  	[sflag:s0] =	ssyncadd.remote.s32 $0x1  }
0xd3: {  	_ =	sfence.sel $0xFFFF  }
0xd4: {  	[dreg:$0x0] =	wrdreg $0xFFFFFFFF;
	(pc) =	sbr.abs _section_cstart, $3  }
0xd5: {  	[dreg:$0x1] =	wrdreg $0xFFFFFFFF  }
0xd6: {  	_ =	task.clear_ibuf [dreg:s22], $0x2FFFF;
	_ =	strace $0x9FFFFFFF  }
0xd7: {  	(tm) =	ssettm $0x7FFFFFFF  }
tec
execute0_lowered:
.L_overlay_start_1:
0x0: {  	(tag) =	ssettag $0x1  }
0x1: {  	s0 =	rddreg [dreg:$0x0];
	s1 =	srdreg.scid  }
0x2: {  	s2 =	stileid.u32;
	s4 =	rddreg [dreg:$0x1];
	s14 =	simm.s32 $0x3  }
0x3: {  	s15 =	simm.s32 $0x320;
	s17 =	simm.s32 $0x3200;
	s19 =	simm.s32 $0x6400  }
0x4: {  	s21 =	simm.s32 $0x9600;
	s23 =	simm.s32 $0xC800;
	s24 =	simm.s32 $0x2580  }
0x5: {  	s25 =	simm.s32 $0xFA00;
	s28 =	simm.s32 $0x12C00;
	s30 =	simm.s32 $0x15E00  }
0x6: {  	s16 =	simm.s32 $0x10;
	s1 =	sand.u32 $0x1, s1;
	s3 =	sshll.u32 s2, $0x1  }
0x7: {  	s18 =	simm.s32 $0x80;
	s20 =	simm.s32 $0x2;
	s3 =	sor.u32 s1, s3  }
0x8: {  	s22 =	simm.s32 $0x0;
	s2 =	simm.s32 $0x0;
	s5 =	smul.u32 $0x1900, s3  }
0x9: {  	[smem:$0x7FF] =	sst s2;
	s1 =	ssub.s32 $0x2, s1;
	s6 =	smul.u32 $0x3200, s3  }
0xa: {  	v0 =	vlaneseq.u32;
	_ =	strace $0x8000004A;
	s3 =	sadd.s32 $0xE400, s0;
	s7 =	sshrl.u32 s1, $0x1  }
0xb: {  	v0 =	vmul.u32 $0x8, v0;
	s1 =	ssub.s32 s1, s7;
	s5 =	sshrl.u32 s5, $0x3;
	s4 =	sadd.s32 s4, s6  }
0xc: {  	s13 =	smax.u32 s1, $0x1;
	s1 =	simm.s32 $0x19000;
	s0 =	sadd.s32 s0, s5  }
0xd: {  	v1 =	vor.u32 $0x1, v0;
	s6 =	sadd.s32 $0x2, s4;
	s7 =	sadd.s32 $0x4, s4;
	s8 =	sadd.s32 $0x6, s4  }
0xe: {  	v2 =	vor.u32 $0x2, v0;
	v3 =	vor.u32 $0x3, v0;
	v4 =	vor.u32 $0x4, v0;
	s9 =	sadd.s32 $0x8, s4;
	s10 =	sadd.s32 $0xA, s4;
	s11 =	sadd.s32 $0xC, s4  }
0xf: {  	v5 =	vor.u32 $0x5, v0;
	v6 =	vor.u32 $0x6, v0;
	v7 =	vor.u32 $0x7, v0;
	s12 =	sadd.s32 $0xE, s4;
	s5 =	sadd.s32 $0x8000, s0;
	s0 =	simm.s32 $0x1  }
.LBB2_1:
0x10: {  	v8 =	vor.u32 s2, v0  }
0x11: {  	[tilespmem:s2], [sflag:$0x3] =	stream.linear.gather [hbm4b:s5+s2], $0x1900, $0x38;
	[tilespmem:$0x1C200] =	vst v63  }
0x12: {  	_ =	swait.ge [sflag:s14], $0x1900  }
0x13: {  	[sflag:s14] =	ssyncset.done $0x0  }
0x14: {  	[sflag:s14] =	ssyncadd.s32 $0xFFFFE700  }
0x15: {  	v8 =	vld.idx.msk [tilespmem:v8+s2+$0x0], $0xffff  }
0x16: {  	v9 =	vor.u32 s2, v1;
	_ =	sdelay $0x3  }
0x17: {  	[tilespmem:s24+$0xFFFFF380] =	vst v8  }
0x18: {  	v8 =	vld.idx.msk [tilespmem:v9+s2+$0x0], $0xffff  }
0x19: {  	v9 =	vor.u32 s2, v2;
	_ =	sdelay $0x3  }
0x1a: {  	[tilespmem:s24+$0xFFFFF6A0] =	vst v8  }
0x1b: {  	v8 =	vld.idx.msk [tilespmem:v9+s2+$0x0], $0xffff  }
0x1c: {  	v9 =	vor.u32 s2, v3;
	_ =	sdelay $0x3  }
0x1d: {  	[tilespmem:s24+$0xFFFFF9C0] =	vst v8  }
0x1e: {  	v8 =	vld.idx.msk [tilespmem:v9+s2+$0x0], $0xffff  }
0x1f: {  	v9 =	vor.u32 s2, v4;
	_ =	sdelay $0x3  }
0x20: {  	[tilespmem:s24+$0xFFFFFCE0] =	vst v8  }
0x21: {  	v8 =	vld.idx.msk [tilespmem:v9+s2+$0x0], $0xffff  }
0x22: {  	v9 =	vor.u32 s2, v5;
	_ =	sdelay $0x3  }
0x23: {  	[tilespmem:s24+$0x0] =	vst v8  }
0x24: {  	v8 =	vld.idx.msk [tilespmem:v9+s2+$0x0], $0xffff  }
0x25: {  	v9 =	vor.u32 s2, v6;
	_ =	sdelay $0x3  }
0x26: {  	[tilespmem:s24+$0x320] =	vst v8  }
0x27: {  	v8 =	vld.idx.msk [tilespmem:v9+s2+$0x0], $0xffff  }
0x28: {  	v9 =	vor.u32 s2, v7;
	_ =	sdelay $0x3  }
0x29: {  	[tilespmem:s24+$0x640] =	vst v8  }
0x2a: {  	s26 =	simm.s32 $0x80;
	v8 =	vld.idx.msk [tilespmem:v9+s2+$0x0], $0xffff  }
0x2b: {  	s31 =	simm.s32 $0x100;
	s29 =	simm.s32 $0x2580;
	v9 =	vor.u32 s26, v0  }
.LBB2_2:
0x2c: {  	p0 =	sne.s32 s31, $0x1880;
	_ =	sdelay $0x2  }
0x2d: {  	[tilespmem:s29+$0x960] =	vst v8  }
0x2e: {  	v8 =	vld.idx.msk [tilespmem:v9+s2+$0x0], $0xffff;
	_ =	sdelay $0x1  }
0x2f: {  	v9 =	vor.u32 s26, v1;
	_ =	sdelay $0x2  }
0x30: {  	s29 =	sadd.s32 $0x10, s29  }
0x31: {  	[tilespmem:s29+$0xFFFFF380] =	vst v8  }
0x32: {  	v8 =	vld.idx.msk [tilespmem:v9+s2+$0x0], $0xffff;
	_ =	sdelay $0x1  }
0x33: {  	v9 =	vor.u32 s26, v2;
	_ =	sdelay $0x3  }
0x34: {  	[tilespmem:s29+$0xFFFFF6A0] =	vst v8  }
0x35: {  	v8 =	vld.idx.msk [tilespmem:v9+s2+$0x0], $0xffff;
	_ =	sdelay $0x1  }
0x36: {  	v9 =	vor.u32 s26, v3;
	_ =	sdelay $0x3  }
0x37: {  	[tilespmem:s29+$0xFFFFF9C0] =	vst v8  }
0x38: {  	v8 =	vld.idx.msk [tilespmem:v9+s2+$0x0], $0xffff;
	_ =	sdelay $0x1  }
0x39: {  	v9 =	vor.u32 s26, v4;
	_ =	sdelay $0x3  }
0x3a: {  	[tilespmem:s29+$0xFFFFFCE0] =	vst v8  }
0x3b: {  	v8 =	vld.idx.msk [tilespmem:v9+s2+$0x0], $0xffff;
	_ =	sdelay $0x1  }
0x3c: {  	v9 =	vor.u32 s26, v5;
	_ =	sdelay $0x3  }
0x3d: {  	[tilespmem:s29+$0x0] =	vst v8  }
0x3e: {  	v8 =	vld.idx.msk [tilespmem:v9+s2+$0x0], $0xffff;
	_ =	sdelay $0x1  }
0x3f: {  	v9 =	vor.u32 s26, v6;
	_ =	sdelay $0x3  }
0x40: {  	[tilespmem:s29+$0x320] =	vst v8  }
0x41: {  	v8 =	vld.idx.msk [tilespmem:v9+s2+$0x0], $0xffff;
	_ =	sdelay $0x1  }
0x42: {  	v9 =	vor.u32 s26, v7;
	s26 =	smov.u32 s31;
	_ =	sdelay $0x2  }
.Ltmp0:
0x43: {  	(pc) =	sbr.rel @p0 .LBB2_2-.Ltmp0, $3  }
0x44: {  	[tilespmem:s29+$0x640] =	vst v8  }
0x45: {  	v8 =	vld.idx.msk [tilespmem:v9+s2+$0x0], $0xffff;
	_ =	sdelay $0x1  }
0x46: {  	s31 =	sadd.s32 $0x80, s31;
	v9 =	vor.u32 s26, v0  }
0x47: {  	_ =	sdelay $0x2  }
0x48: {  	[tilespmem:s29+$0x960] =	vst v8  }
0x49: {  	v8 =	vld.idx.msk [tilespmem:v9+s2+$0x0], $0xffff  }
0x4a: {  	v57 =	vor.u32 s26, v1;
	_ =	sdelay $0x2  }
0x4b: {  	s31 =	sadd.s32 $0x10, s29  }
0x4c: {  	[tilespmem:s31+$0xFFFFF380] =	vst v8  }
0x4d: {  	v8 =	vld.idx.msk [tilespmem:v57+s2+$0x0], $0xffff  }
0x4e: {  	v58 =	vor.u32 s26, v2;
	_ =	sdelay $0x3  }
0x4f: {  	[tilespmem:s31+$0xFFFFF6A0] =	vst v8  }
0x50: {  	v8 =	vld.idx.msk [tilespmem:v58+s2+$0x0], $0xffff  }
0x51: {  	v59 =	vor.u32 s26, v3;
	_ =	sdelay $0x3  }
0x52: {  	[tilespmem:s31+$0xFFFFF9C0] =	vst v8  }
0x53: {  	v8 =	vld.idx.msk [tilespmem:v59+s2+$0x0], $0xffff  }
0x54: {  	v60 =	vor.u32 s26, v4;
	_ =	sdelay $0x3  }
0x55: {  	[tilespmem:s31+$0xFFFFFCE0] =	vst v8  }
0x56: {  	v8 =	vld.idx.msk [tilespmem:v60+s2+$0x0], $0xffff  }
0x57: {  	v61 =	vor.u32 s26, v5;
	_ =	sdelay $0x3  }
0x58: {  	[tilespmem:s31+$0x0] =	vst v8  }
0x59: {  	v8 =	vld.idx.msk [tilespmem:v61+s2+$0x0], $0xffff  }
0x5a: {  	v62 =	vor.u32 s26, v6;
	_ =	sdelay $0x3  }
0x5b: {  	[tilespmem:s31+$0x320] =	vst v8  }
0x5c: {  	v8 =	vld.idx.msk [tilespmem:v62+s2+$0x0], $0xffff  }
0x5d: {  	v63 =	vor.u32 s26, v7;
	_ =	sdelay $0x3  }
0x5e: {  	[tilespmem:s31+$0x640] =	vst v8  }
0x5f: {  	v8 =	vld.idx.msk [tilespmem:v63+s2+$0x0], $0xffff;
	_ =	sdelay $0x4  }
0x60: {  	[tilespmem:s31+$0x960] =	vst v8;
	s31 =	simm.s32 $0x1900  }
0x61: {  	[tilespmem:s17], [sflag:$0x1] =	stream.indirect.gather [hbm4b:s3+s15], $0x10, s31, s15, $0xb8;
	[tilespmem:$0x1C200] =	vst v63  }
0x62: {  	s29 =	simm.s32 $0x1C20  }
0x63: {  	[tilespmem:s19], [sflag:$0x1] =	stream.indirect.gather [hbm4b:s3+s15], $0x10, s29, s15, $0xb8;
	[tilespmem:$0x1C200] =	vst v63  }
0x64: {  	s31 =	simm.s32 $0x1F40  }
0x65: {  	[tilespmem:s21], [sflag:$0x1] =	stream.indirect.gather [hbm4b:s3+s15], $0x10, s31, s15, $0xb8;
	[tilespmem:$0x1C200] =	vst v63  }
0x66: {  	s29 =	simm.s32 $0x2260  }
0x67: {  	[tilespmem:s23], [sflag:$0x1] =	stream.indirect.gather [hbm4b:s3+s15], $0x10, s29, s15, $0xb8;
	[tilespmem:$0x1C200] =	vst v63  }
0x68: {  	_ = 	snop  }
0x69: {  	[tilespmem:s25], [sflag:$0x1] =	stream.indirect.gather [hbm4b:s3+s15], $0x10, s24, s15, $0xb8;
	[tilespmem:$0x1C200] =	vst v63  }
0x6a: {  	s31 =	simm.s32 $0x28A0  }
0x6b: {  	[tilespmem:s28], [sflag:$0x1] =	stream.indirect.gather [hbm4b:s3+s15], $0x10, s31, s15, $0xb8;
	[tilespmem:$0x1C200] =	vst v63  }
0x6c: {  	s29 =	simm.s32 $0x2BC0  }
0x6d: {  	[tilespmem:s30], [sflag:$0x1] =	stream.indirect.gather [hbm4b:s3+s15], $0x10, s29, s15, $0xb8;
	[tilespmem:$0x1C200] =	vst v63  }
0x6e: {  	s31 =	simm.s32 $0x2EE0  }
0x6f: {  	[tilespmem:s1], [sflag:$0x1] =	stream.indirect.gather [hbm4b:s3+s15], $0x10, s31, s15, $0xb8;
	[tilespmem:$0x1C200] =	vst v63  }
0x70: {  	_ =	swait.ge [sflag:s0], $0x3200  }
0x71: {  	[sflag:s0] =	ssyncset.done $0x0  }
0x72: {  	[sflag:s0] =	ssyncadd.s32 $0xFFFFCE00  }
0x73: {  	_ =	swait.ge [sflag:s0], $0x3200  }
0x74: {  	[sflag:s0] =	ssyncset.done $0x0  }
0x75: {  	[sflag:s0] =	ssyncadd.s32 $0xFFFFCE00  }
0x76: {  	_ =	swait.ge [sflag:s0], $0x3200  }
0x77: {  	[sflag:s0] =	ssyncset.done $0x0  }
0x78: {  	[sflag:s0] =	ssyncadd.s32 $0xFFFFCE00  }
0x79: {  	_ =	swait.ge [sflag:s0], $0x3200  }
0x7a: {  	[sflag:s0] =	ssyncset.done $0x0  }
0x7b: {  	[sflag:s0] =	ssyncadd.s32 $0xFFFFCE00  }
0x7c: {  	_ =	swait.ge [sflag:s0], $0x3200  }
0x7d: {  	[sflag:s0] =	ssyncset.done $0x0  }
0x7e: {  	[sflag:s0] =	ssyncadd.s32 $0xFFFFCE00  }
0x7f: {  	_ =	swait.ge [sflag:s0], $0x3200  }
0x80: {  	[sflag:s0] =	ssyncset.done $0x0  }
0x81: {  	[sflag:s0] =	ssyncadd.s32 $0xFFFFCE00  }
0x82: {  	_ =	swait.ge [sflag:s0], $0x3200  }
0x83: {  	[sflag:s0] =	ssyncset.done $0x0  }
0x84: {  	[sflag:s0] =	ssyncadd.s32 $0xFFFFCE00  }
0x85: {  	_ =	swait.ge [sflag:s0], $0x3200  }
0x86: {  	[sflag:s0] =	ssyncset.done $0x0  }
0x87: {  	[sflag:s0] =	ssyncadd.s32 $0xFFFFCE00  }
0x88: {  	[hbm4b:s4+s16] =	stream.strided.scatter [tilespmem:s17], [sflag:$0x2], $0x3200, s18, s16, $0x38;
	[tilespmem:$0x1C200] =	vst v63  }
0x89: {  	_ = 	snop  }
0x8a: {  	[hbm4b:s6+s16] =	stream.strided.scatter [tilespmem:s19], [sflag:$0x2], $0x3200, s18, s16, $0x38;
	[tilespmem:$0x1C200] =	vst v63  }
0x8b: {  	_ = 	snop  }
0x8c: {  	[hbm4b:s7+s16] =	stream.strided.scatter [tilespmem:s21], [sflag:$0x2], $0x3200, s18, s16, $0x38;
	[tilespmem:$0x1C200] =	vst v63  }
0x8d: {  	_ = 	snop  }
0x8e: {  	[hbm4b:s8+s16] =	stream.strided.scatter [tilespmem:s23], [sflag:$0x2], $0x3200, s18, s16, $0x38;
	[tilespmem:$0x1C200] =	vst v63  }
0x8f: {  	_ = 	snop  }
0x90: {  	[hbm4b:s9+s16] =	stream.strided.scatter [tilespmem:s25], [sflag:$0x2], $0x3200, s18, s16, $0x38;
	[tilespmem:$0x1C200] =	vst v63  }
0x91: {  	_ = 	snop  }
0x92: {  	[hbm4b:s10+s16] =	stream.strided.scatter [tilespmem:s28], [sflag:$0x2], $0x3200, s18, s16, $0x38;
	[tilespmem:$0x1C200] =	vst v63  }
0x93: {  	_ = 	snop  }
0x94: {  	[hbm4b:s11+s16] =	stream.strided.scatter [tilespmem:s30], [sflag:$0x2], $0x3200, s18, s16, $0x38;
	[tilespmem:$0x1C200] =	vst v63  }
0x95: {  	_ = 	snop  }
0x96: {  	[hbm4b:s12+s16] =	stream.strided.scatter [tilespmem:s1], [sflag:$0x2], $0x3200, s18, s16, $0x38;
	[tilespmem:$0x1C200] =	vst v63  }
0x97: {  	_ =	swait.ge [sflag:s20], $0x3200  }
0x98: {  	[sflag:s20] =	ssyncset.done $0x0  }
0x99: {  	[sflag:s20] =	ssyncadd.s32 $0xFFFFCE00  }
0x9a: {  	_ =	swait.ge [sflag:s20], $0x3200  }
0x9b: {  	[sflag:s20] =	ssyncset.done $0x0  }
0x9c: {  	[sflag:s20] =	ssyncadd.s32 $0xFFFFCE00  }
0x9d: {  	_ =	swait.ge [sflag:s20], $0x3200  }
0x9e: {  	[sflag:s20] =	ssyncset.done $0x0  }
0x9f: {  	[sflag:s20] =	ssyncadd.s32 $0xFFFFCE00  }
0xa0: {  	_ =	swait.ge [sflag:s20], $0x3200  }
0xa1: {  	[sflag:s20] =	ssyncset.done $0x0  }
0xa2: {  	[sflag:s20] =	ssyncadd.s32 $0xFFFFCE00  }
0xa3: {  	_ =	swait.ge [sflag:s20], $0x3200  }
0xa4: {  	[sflag:s20] =	ssyncset.done $0x0  }
0xa5: {  	[sflag:s20] =	ssyncadd.s32 $0xFFFFCE00  }
0xa6: {  	_ =	swait.ge [sflag:s20], $0x3200  }
0xa7: {  	[sflag:s20] =	ssyncset.done $0x0  }
0xa8: {  	s22 =	sadd.s32 $0x1, s22;
	[sflag:s20] =	ssyncadd.s32 $0xFFFFCE00  }
0xa9: {  	p0 =	sne.s32 s22, s13;
	_ =	swait.ge [sflag:s20], $0x3200  }
.Ltmp1:
0xaa: {  	[sflag:s20] =	ssyncset.done $0x0;
	(pc) =	sbr.rel @p0 .LBB2_1-.Ltmp1, $4  }
0xab: {  	[sflag:s20] =	ssyncadd.s32 $0xFFFFCE00  }
0xac: {  	_ =	swait.ge [sflag:s20], $0x3200  }
0xad: {  	[sflag:s20] =	ssyncset.done $0x0  }
0xae: {  	[sflag:s20] =	ssyncadd.s32 $0xFFFFCE00  }
0xaf: {  	_ =	sfence.sel $0x180000  }
0xb0: {  	[bflag:$0x0] =	sbarrier.arrive $0xFFFF  }
0xb1: {  	_ =	strace $0x9000004A  }
0xb2: {  	s0 =	stileid.u32;
	[bflag:$0x2] =	sbarrier.arrive $0xFFFF  }
0xb3: {  	p0 =	sne.s32 s0, $0x0;
	s0 =	rddreg [dreg:$0x2]  }
0xb4: {  	s0 =	sadd.s32 @!p0 $0x100000, s0  }
0xb5: {  	[sflag:s0] =	ssyncadd.tile.s32 @!p0 $0x1;
	_ =	shalt  }
.Lfunc_end2:
_tile_overlayer_lowered:
.L_overlay_start_2:
0xb6: {  	(tag) =	ssettag $0x2  }
0xb7: {  	s0 =	rddreg [dreg:$0x0];
	s2 =	stileid.u32  }
0xb8: {  	s1 =	rddreg [dreg:$0x1];
	p0 =	sne.s32 s2, $0x0  }
0xb9: {  	s3 =	rddreg [dreg:$0x2];
	[bflag:$0x3] =	sbarrier.arrive $0xFFFF;
	s2 =	simm.s32 @!p0 $0x1C03  }
0xba: {  	[timem:s3], [sflag:s2] =	dma.local @!p0 [hbm:s0], s1  }
0xbb: {  	s0 =	simm.s32 @!p0 $0x3  }
0xbc: {  	_ =	swait.ge @!p0 [sflag:s0], s1  }
0xbd: {  	s1 =	ssub.s32 @!p0 $0x0, s1;
	[sflag:s0] =	ssyncset.done @!p0 $0x0  }
0xbe: {  	[sflag:s0] =	ssyncadd.s32 @!p0 s1  }
0xbf: {  	[bflag:$0x3] =	sbarrier.arrive $0xFFFF  }
0xc0: {  	_ =	shalt  }

</sc_bundles>
